<compile_context>
chip_gen: v7x
topology: tpu7x:2x2x1
jax: 0.10.2.dev20260603
libtpu: 0.0.44.dev20260713+nightly
codegen_flags: <defaults>
</compile_context>

<pallas_src>
import functools

import jax
import jax.numpy as jnp
from jax import lax
from jax.experimental import pallas as pl
from jax.experimental.pallas import tpu as pltpu
from jax.experimental.pallas import tpu_sc as plsc

BATCH = 16384
EMBED = 64
HIDDEN = 128
N_LAB = 1000000
N_CAT = 100000
NC = 2
NS = 16
NW = NC * NS
B_PER_W = BATCH // NW
CHUNK = 128
N_CHUNK = B_PER_W // CHUNK
BLK = 2048
PBLK = 4096

LAB_OFF = 122
LAB_SPLIT = LAB_OFF * PBLK
LAB_OUT = N_LAB - LAB_SPLIT
LAB_MOFF = 61
LAB_M = LAB_MOFF * PBLK
LAB_W = LAB_OUT - LAB_M
CAT_OFF = 12
CAT_SPLIT = CAT_OFF * PBLK
CAT_OUT = N_CAT - CAT_SPLIT
CAT_MOFF = 6
CAT_M = CAT_MOFF * PBLK
CAT_W = CAT_OUT - CAT_M


def _pack_body(a1_ref, b1_ref, a2_ref, b2_ref, out_ref):
    eye = jnp.eye(EMBED, dtype=jnp.float32)

    def tr(r):
        return lax.dot_general(r[...], eye, (((0,), (0,)), ((), ())),
                               preferred_element_type=jnp.float32)

    low = jnp.concatenate([tr(a1_ref), tr(b1_ref)], axis=1)
    high = jnp.concatenate([tr(a2_ref), tr(b2_ref)], axis=1)
    lo16 = lax.bitcast_convert_type(low.astype(jnp.bfloat16), jnp.int16)
    hi16 = lax.bitcast_convert_type(high.astype(jnp.bfloat16), jnp.int16)
    out_ref[...] = ((hi16.astype(jnp.int32) << 16)
                    | (lo16.astype(jnp.int32) & 0xFFFF))


def _pack(tT, n_words, boff, moff):
    grid = (n_words + PBLK - 1) // PBLK
    return pl.pallas_call(
        _pack_body,
        grid=(grid,),
        in_specs=[
            pl.BlockSpec((EMBED, PBLK), lambda i: (0, i)),
            pl.BlockSpec((EMBED, PBLK), lambda i, _b=boff: (0, i + _b)),
            pl.BlockSpec((EMBED, PBLK), lambda i, _m=moff: (0, i + _m)),
            pl.BlockSpec((EMBED, PBLK),
                         lambda i, _bm=boff + moff: (0, i + _bm)),
        ],
        out_specs=pl.BlockSpec((PBLK, 2 * EMBED), lambda i: (i, 0)),
        out_shape=jax.ShapeDtypeStruct((n_words, 2 * EMBED), jnp.int32),
    )(tT, tT, tT, tT)


def _gather_body(lidx_hbm, cidx_hbm, ltab_hbm, ctab_hbm, el_out, ec_out,
                 idx_l, idx_c, rows, sem):
    wid = lax.axis_index("s") * NC + lax.axis_index("c")
    base_row = wid * N_CHUNK
    pltpu.sync_copy(lidx_hbm.at[pl.ds(base_row, N_CHUNK)], idx_l)
    pltpu.sync_copy(cidx_hbm.at[pl.ds(base_row, N_CHUNK)], idx_c)
    base = wid * B_PER_W
    copies = []
    for j in range(N_CHUNK):
        copies.append(pltpu.async_copy(
            ltab_hbm.at[idx_l.at[j]], rows.at[pl.ds(j * CHUNK, CHUNK)], sem))
    for c in copies:
        c.wait()
    pltpu.sync_copy(rows, el_out.at[pl.ds(base, B_PER_W)])
    copies = []
    for j in range(N_CHUNK):
        copies.append(pltpu.async_copy(
            ctab_hbm.at[idx_c.at[j]], rows.at[pl.ds(j * CHUNK, CHUNK)], sem))
    for c in copies:
        c.wait()
    pltpu.sync_copy(rows, ec_out.at[pl.ds(base, B_PER_W)])


@functools.lru_cache(maxsize=None)
def _make_gather():
    return pl.kernel(
        _gather_body,
        mesh=plsc.VectorSubcoreMesh(core_axis_name="c", subcore_axis_name="s"),
        out_type=[
            jax.ShapeDtypeStruct((BATCH, 2 * EMBED), jnp.int32),
            jax.ShapeDtypeStruct((BATCH, 2 * EMBED), jnp.int32),
        ],
        scratch_types=[
            pltpu.VMEM((N_CHUNK, CHUNK), jnp.int32),
            pltpu.VMEM((N_CHUNK, CHUNK), jnp.int32),
            pltpu.VMEM((B_PER_W, 2 * EMBED), jnp.int32),
            pltpu.SemaphoreType.DMA,
        ],
        compiler_params=pltpu.CompilerParams(use_tc_tiling_on_sc=True),
    )


def _mlp_body(el_ref, ec_ref, pl_ref, pc_ref, hl_ref, hc_ref,
              w1a_ref, w1b_ref, b1_ref,
              w2_ref, b2_ref, w3_ref, b3_ref, out_ref):
    wl = el_ref[...]
    wc = ec_ref[...]
    vl = jnp.where(hl_ref[...] > 0,
                   wl & jnp.int32(-65536), wl << 16)
    vc = jnp.where(hc_ref[...] > 0,
                   wc & jnp.int32(-65536), wc << 16)
    el2 = lax.bitcast_convert_type(vl, jnp.float32)
    ec2 = lax.bitcast_convert_type(vc, jnp.float32)
    el = jnp.where(pl_ref[...] > 0, el2[:, EMBED:], el2[:, :EMBED])
    ec = jnp.where(pc_ref[...] > 0, ec2[:, EMBED:], ec2[:, :EMBED])
    el = el.astype(jnp.bfloat16)
    ec = ec.astype(jnp.bfloat16)
    h = jnp.dot(el, w1a_ref[...], preferred_element_type=jnp.float32)
    h = h + jnp.dot(ec, w1b_ref[...], preferred_element_type=jnp.float32)
    h = jnp.maximum(h + b1_ref[...], 0.0)
    h = jnp.maximum(
        jnp.dot(h, w2_ref[...], preferred_element_type=jnp.float32) + b2_ref[...],
        0.0)
    out_ref[...] = (
        jnp.dot(h, w3_ref[...], preferred_element_type=jnp.float32) + b3_ref[...])


def _mlp(el, ec, par_l, par_c, h_l, h_c, W1a, W1b, b1, W2, b2, W3, b3):
    return pl.pallas_call(
        _mlp_body,
        grid=(BATCH // BLK,),
        in_specs=[
            pl.BlockSpec((BLK, 2 * EMBED), lambda i: (i, 0)),
            pl.BlockSpec((BLK, 2 * EMBED), lambda i: (i, 0)),
            pl.BlockSpec((BLK, 1), lambda i: (i, 0)),
            pl.BlockSpec((BLK, 1), lambda i: (i, 0)),
            pl.BlockSpec((BLK, 1), lambda i: (i, 0)),
            pl.BlockSpec((BLK, 1), lambda i: (i, 0)),
            pl.BlockSpec((EMBED, HIDDEN), lambda i: (0, 0)),
            pl.BlockSpec((EMBED, HIDDEN), lambda i: (0, 0)),
            pl.BlockSpec((1, HIDDEN), lambda i: (0, 0)),
            pl.BlockSpec((HIDDEN, HIDDEN), lambda i: (0, 0)),
            pl.BlockSpec((1, HIDDEN), lambda i: (0, 0)),
            pl.BlockSpec((HIDDEN, 2), lambda i: (0, 0)),
            pl.BlockSpec((1, 2), lambda i: (0, 0)),
        ],
        out_specs=pl.BlockSpec((BLK, 2), lambda i: (i, 0)),
        out_shape=jax.ShapeDtypeStruct((BATCH, 2), jnp.float32),
    )(el, ec, par_l, par_c, h_l, h_c, W1a, W1b, b1, W2, b2, W3, b3)


def kernel(label_idx, category_idx, label_table, category_table,
           W1, b1, W2, b2, W3, b3):
    lidx = label_idx.astype(jnp.int32)
    cidx = category_idx.astype(jnp.int32)
    lsel = (lidx >= LAB_SPLIT).astype(jnp.int32)
    csel = (cidx >= CAT_SPLIT).astype(jnp.int32)
    lchunk = lidx - lsel * LAB_SPLIT
    cchunk = cidx - csel * CAT_SPLIT
    lhi = (lchunk >= LAB_M).astype(jnp.int32)
    chi = (cchunk >= CAT_M).astype(jnp.int32)
    lword = (lchunk - lhi * LAB_M).reshape(BATCH // CHUNK, CHUNK)
    cword = (cchunk - chi * CAT_M).reshape(BATCH // CHUNK, CHUNK)
    ltp = _pack(label_table.T, LAB_W, LAB_OFF, LAB_MOFF)
    ctp = _pack(category_table.T, CAT_W, CAT_OFF, CAT_MOFF)
    el, ec = _make_gather()(lword, cword, ltp, ctp)
    return _mlp(el, ec, lsel.reshape(BATCH, 1), csel.reshape(BATCH, 1),
                lhi.reshape(BATCH, 1), chi.reshape(BATCH, 1),
                W1[:EMBED].astype(jnp.bfloat16), W1[EMBED:].astype(jnp.bfloat16),
                b1.reshape(1, HIDDEN), W2, b2.reshape(1, HIDDEN),
                W3, b3.reshape(1, 2))

# --- scband reference (transcript-rebuilt; emitter-appended) ---
"""Pipeline reference for scband-dim-model-22711787061623 (READ-ONLY COPY).

The authoritative reference and input builder live on the scoring server;
editing this copy changes nothing except your own understanding.
"""

import jax, jax.numpy as jnp
import numpy as np

N_LABELS = 1000000
N_CATEGORIES = 100000
EMBED_DIM = 64
HIDDEN = 128
BATCH = 16384


def setup_inputs(seed: int = 0) -> dict:
    key = jax.random.key(seed)
    k1, k2, k3, k4, k5, k6, k7, k8, k9, k10 = jax.random.split(key, 10)
    label_idx = jax.random.randint(k1, (BATCH,), 0, N_LABELS, dtype=jnp.int64 if jax.config.jax_enable_x64 else jnp.int32)
    category_idx = jax.random.randint(k2, (BATCH,), 0, N_CATEGORIES, dtype=jnp.int64 if jax.config.jax_enable_x64 else jnp.int32)
    label_table = jax.random.normal(k3, (N_LABELS, EMBED_DIM), dtype=jnp.float32)
    category_table = jax.random.normal(k4, (N_CATEGORIES, EMBED_DIM), dtype=jnp.float32)
    input_dim = EMBED_DIM * 2
    W1 = jax.random.normal(k5, (input_dim, HIDDEN), dtype=jnp.float32) * (1.0 / np.sqrt(input_dim))
    b1 = jnp.zeros((HIDDEN,), dtype=jnp.float32)
    W2 = jax.random.normal(k6, (HIDDEN, HIDDEN), dtype=jnp.float32) * (1.0 / np.sqrt(HIDDEN))
    b2 = jnp.zeros((HIDDEN,), dtype=jnp.float32)
    W3 = jax.random.normal(k7, (HIDDEN, 2), dtype=jnp.float32) * (1.0 / np.sqrt(HIDDEN))
    b3 = jnp.zeros((2,), dtype=jnp.float32)
    return {
        "label_idx": label_idx,
        "category_idx": category_idx,
        "label_table": label_table,
        "category_table": category_table,
        "W1": W1, "b1": b1,
        "W2": W2, "b2": b2,
        "W3": W3, "b3": b3,
    }


def reference(label_idx, category_idx, label_table, category_table, W1, b1, W2, b2, W3, b3):
    # embedding lookups (gather)
    e_label = jnp.take(label_table, label_idx, axis=0)
    e_cat = jnp.take(category_table, category_idx, axis=0)
    x = jnp.concatenate([e_label, e_cat], axis=1)
    # MLP: Linear -> ReLU -> Linear -> ReLU -> Linear
    h = jax.nn.relu(x @ W1 + b1)
    h = jax.nn.relu(h @ W2 + b2)
    out = h @ W3 + b3
    return out

if __name__ == "__main__":
    import jax
    _d = setup_inputs()
    print(jax.jit(kernel)(*tuple(_d.values())))

</pallas_src>

<mosaic_0001>
#map = affine_map<(d0, d1) -> (0, 0)>
module attributes {stable_mosaic.version = 14 : i64} {
  func.func @_gather_body(%arg0: i32, %arg1: i32, %arg2: memref<128x128xi32, #tpu.memory_space<hbm>>, %arg3: memref<128x128xi32, #tpu.memory_space<hbm>>, %arg4: memref<250432x128xi32, #tpu.memory_space<hbm>>, %arg5: memref<26272x128xi32, #tpu.memory_space<hbm>>, %arg6: memref<16384x128xi32, #tpu.memory_space<hbm>>, %arg7: memref<16384x128xi32, #tpu.memory_space<hbm>>, %arg8: memref<4x128xi32, #tpu.memory_space<vmem>>, %arg9: memref<4x128xi32, #tpu.memory_space<vmem>>, %arg10: memref<512x128xi32, #tpu.memory_space<vmem>>, %arg11: memref<!tpu.dma_semaphore, #tpu.memory_space<semaphore_mem>>) attributes {dimension_semantics = [#tpu.dimension_semantics<core_parallel>, #tpu.dimension_semantics<subcore_parallel>], iteration_bounds = array<i64: 2, 16>, scalar_prefetch = 0 : i64, scratch_operands = 4 : i64, tpu.core_type = #tpu.core_type<sc_vector_subcore>, window_params = [{transform_indices = #map}, {transform_indices = #map}, {transform_indices = #map}, {transform_indices = #map}, {transform_indices = #map}, {transform_indices = #map}]} {
    %mul3A = arith.constant 2 : i32
    %mul3A_0 = arith.muli %arg1, %mul3A : i32
    %add3A = arith.addi %mul3A_0, %arg0 : i32
    %mul3A_1 = arith.constant 4 : i32
    %mul3A_2 = arith.muli %add3A, %mul3A_1 : i32
    "tpu.region"() ({
      %run_scoped3A = tpu.sem_alloc : memref<!tpu.dma_semaphore, #tpu.memory_space<semaphore_mem>>
      %dma_start3A_163 = arith.constant 0 : i32
      %dma_start3A_164 = tpu.memref_slice %arg2[%mul3A_2, %dma_start3A_163] : memref<128x128xi32, #tpu.memory_space<hbm>> -> memref<4x128xi32, #tpu.memory_space<hbm>>
      %dma_start3A_165 = arith.constant 0 : i32
      %dma_start3A_166 = tpu.memref_slice %arg2[%mul3A_2, %dma_start3A_165] : memref<128x128xi32, #tpu.memory_space<hbm>> -> memref<4x128xi32, #tpu.memory_space<hbm>>
      tpu.enqueue_dma source(%dma_start3A_166 : memref<4x128xi32, #tpu.memory_space<hbm>>) target(%arg8 : memref<4x128xi32, #tpu.memory_space<vmem>>) target_semaphore(%run_scoped3A : memref<!tpu.dma_semaphore, #tpu.memory_space<semaphore_mem>>)
      %dma_wait3A_167 = arith.constant 0 : i32
      %dma_wait3A_168 = tpu.memref_slice %arg2[%mul3A_2, %dma_wait3A_167] : memref<128x128xi32, #tpu.memory_space<hbm>> -> memref<4x128xi32, #tpu.memory_space<hbm>>
      %dma_wait3A_169 = arith.constant 0 : i32
      %dma_wait3A_170 = tpu.memref_slice %arg2[%mul3A_2, %dma_wait3A_169] : memref<128x128xi32, #tpu.memory_space<hbm>> -> memref<4x128xi32, #tpu.memory_space<hbm>>
      tpu.wait_dma2 semaphore(%run_scoped3A : memref<!tpu.dma_semaphore, #tpu.memory_space<semaphore_mem>>) src(%dma_wait3A_170 : memref<4x128xi32, #tpu.memory_space<hbm>>) dst(%arg8 : memref<4x128xi32, #tpu.memory_space<vmem>>)
      tpu.yield
    }) : () -> ()
    "tpu.region"() ({
      %run_scoped3A = tpu.sem_alloc : memref<!tpu.dma_semaphore, #tpu.memory_space<semaphore_mem>>
      %dma_start3A_163 = arith.constant 0 : i32
      %dma_start3A_164 = tpu.memref_slice %arg3[%mul3A_2, %dma_start3A_163] : memref<128x128xi32, #tpu.memory_space<hbm>> -> memref<4x128xi32, #tpu.memory_space<hbm>>
      %dma_start3A_165 = arith.constant 0 : i32
      %dma_start3A_166 = tpu.memref_slice %arg3[%mul3A_2, %dma_start3A_165] : memref<128x128xi32, #tpu.memory_space<hbm>> -> memref<4x128xi32, #tpu.memory_space<hbm>>
      tpu.enqueue_dma source(%dma_start3A_166 : memref<4x128xi32, #tpu.memory_space<hbm>>) target(%arg9 : memref<4x128xi32, #tpu.memory_space<vmem>>) target_semaphore(%run_scoped3A : memref<!tpu.dma_semaphore, #tpu.memory_space<semaphore_mem>>)
      %dma_wait3A_167 = arith.constant 0 : i32
      %dma_wait3A_168 = tpu.memref_slice %arg3[%mul3A_2, %dma_wait3A_167] : memref<128x128xi32, #tpu.memory_space<hbm>> -> memref<4x128xi32, #tpu.memory_space<hbm>>
      %dma_wait3A_169 = arith.constant 0 : i32
      %dma_wait3A_170 = tpu.memref_slice %arg3[%mul3A_2, %dma_wait3A_169] : memref<128x128xi32, #tpu.memory_space<hbm>> -> memref<4x128xi32, #tpu.memory_space<hbm>>
      tpu.wait_dma2 semaphore(%run_scoped3A : memref<!tpu.dma_semaphore, #tpu.memory_space<semaphore_mem>>) src(%dma_wait3A_170 : memref<4x128xi32, #tpu.memory_space<hbm>>) dst(%arg9 : memref<4x128xi32, #tpu.memory_space<vmem>>)
      tpu.yield
    }) : () -> ()
    %mul3A_3 = arith.constant 512 : i32
    %mul3A_4 = arith.muli %add3A, %mul3A_3 : i32
    %dma_start3A = arith.constant 0 : i32
    %dma_start3A_5 = arith.constant 0 : i32
    %dma_start3A_6 = arith.constant 0 : i32
    %dma_start3A_7 = tpu.memref_slice %arg10[%dma_start3A_5, %dma_start3A_6] : memref<512x128xi32, #tpu.memory_space<vmem>> -> memref<128x128xi32, #tpu.memory_space<vmem>>
    %dma_start3A_8 = arith.constant 0 : i32
    %dma_start3A_9 = tpu.memref_slice %arg8[%dma_start3A, %dma_start3A_8] : memref<4x128xi32, #tpu.memory_space<vmem>> -> memref<1x128xi32, #tpu.memory_space<vmem>>
    %dma_start3A_10 = tpu.memref_squeeze %dma_start3A_9 : memref<1x128xi32, #tpu.memory_space<vmem>> -> memref<128xi32, #tpu.memory_space<vmem>>
    %dma_start3A_11 = arith.constant 0 : i32
    %dma_start3A_12 = arith.constant 0 : i32
    %dma_start3A_13 = tpu.memref_slice %arg4[%dma_start3A_11, %dma_start3A_12] : memref<250432x128xi32, #tpu.memory_space<hbm>> -> memref<250432x128xi32, #tpu.memory_space<hbm>>
    tpu.enqueue_indirect_dma source(%dma_start3A_13 : memref<250432x128xi32, #tpu.memory_space<hbm>>) target(%dma_start3A_7 : memref<128x128xi32, #tpu.memory_space<vmem>>) offsets(%dma_start3A_10 : memref<128xi32, #tpu.memory_space<vmem>>) semaphore(%arg11 : memref<!tpu.dma_semaphore, #tpu.memory_space<semaphore_mem>>)
    %dma_start3A_14 = arith.constant 1 : i32
    %dma_start3A_15 = arith.constant 128 : i32
    %dma_start3A_16 = arith.constant 0 : i32
    %dma_start3A_17 = tpu.memref_slice %arg10[%dma_start3A_15, %dma_start3A_16] : memref<512x128xi32, #tpu.memory_space<vmem>> -> memref<128x128xi32, #tpu.memory_space<vmem>>
    %dma_start3A_18 = arith.constant 0 : i32
    %dma_start3A_19 = tpu.memref_slice %arg8[%dma_start3A_14, %dma_start3A_18] : memref<4x128xi32, #tpu.memory_space<vmem>> -> memref<1x128xi32, #tpu.memory_space<vmem>>
    %dma_start3A_20 = tpu.memref_squeeze %dma_start3A_19 : memref<1x128xi32, #tpu.memory_space<vmem>> -> memref<128xi32, #tpu.memory_space<vmem>>
    %dma_start3A_21 = arith.constant 0 : i32
    %dma_start3A_22 = arith.constant 0 : i32
    %dma_start3A_23 = tpu.memref_slice %arg4[%dma_start3A_21, %dma_start3A_22] : memref<250432x128xi32, #tpu.memory_space<hbm>> -> memref<250432x128xi32, #tpu.memory_space<hbm>>
    tpu.enqueue_indirect_dma source(%dma_start3A_23 : memref<250432x128xi32, #tpu.memory_space<hbm>>) target(%dma_start3A_17 : memref<128x128xi32, #tpu.memory_space<vmem>>) offsets(%dma_start3A_20 : memref<128xi32, #tpu.memory_space<vmem>>) semaphore(%arg11 : memref<!tpu.dma_semaphore, #tpu.memory_space<semaphore_mem>>)
    %dma_start3A_24 = arith.constant 2 : i32
    %dma_start3A_25 = arith.constant 256 : i32
    %dma_start3A_26 = arith.constant 0 : i32
    %dma_start3A_27 = tpu.memref_slice %arg10[%dma_start3A_25, %dma_start3A_26] : memref<512x128xi32, #tpu.memory_space<vmem>> -> memref<128x128xi32, #tpu.memory_space<vmem>>
    %dma_start3A_28 = arith.constant 0 : i32
    %dma_start3A_29 = tpu.memref_slice %arg8[%dma_start3A_24, %dma_start3A_28] : memref<4x128xi32, #tpu.memory_space<vmem>> -> memref<1x128xi32, #tpu.memory_space<vmem>>
    %dma_start3A_30 = tpu.memref_squeeze %dma_start3A_29 : memref<1x128xi32, #tpu.memory_space<vmem>> -> memref<128xi32, #tpu.memory_space<vmem>>
    %dma_start3A_31 = arith.constant 0 : i32
    %dma_start3A_32 = arith.constant 0 : i32
    %dma_start3A_33 = tpu.memref_slice %arg4[%dma_start3A_31, %dma_start3A_32] : memref<250432x128xi32, #tpu.memory_space<hbm>> -> memref<250432x128xi32, #tpu.memory_space<hbm>>
    tpu.enqueue_indirect_dma source(%dma_start3A_33 : memref<250432x128xi32, #tpu.memory_space<hbm>>) target(%dma_start3A_27 : memref<128x128xi32, #tpu.memory_space<vmem>>) offsets(%dma_start3A_30 : memref<128xi32, #tpu.memory_space<vmem>>) semaphore(%arg11 : memref<!tpu.dma_semaphore, #tpu.memory_space<semaphore_mem>>)
    %dma_start3A_34 = arith.constant 3 : i32
    %dma_start3A_35 = arith.constant 384 : i32
    %dma_start3A_36 = arith.constant 0 : i32
    %dma_start3A_37 = tpu.memref_slice %arg10[%dma_start3A_35, %dma_start3A_36] : memref<512x128xi32, #tpu.memory_space<vmem>> -> memref<128x128xi32, #tpu.memory_space<vmem>>
    %dma_start3A_38 = arith.constant 0 : i32
    %dma_start3A_39 = tpu.memref_slice %arg8[%dma_start3A_34, %dma_start3A_38] : memref<4x128xi32, #tpu.memory_space<vmem>> -> memref<1x128xi32, #tpu.memory_space<vmem>>
    %dma_start3A_40 = tpu.memref_squeeze %dma_start3A_39 : memref<1x128xi32, #tpu.memory_space<vmem>> -> memref<128xi32, #tpu.memory_space<vmem>>
    %dma_start3A_41 = arith.constant 0 : i32
    %dma_start3A_42 = arith.constant 0 : i32
    %dma_start3A_43 = tpu.memref_slice %arg4[%dma_start3A_41, %dma_start3A_42] : memref<250432x128xi32, #tpu.memory_space<hbm>> -> memref<250432x128xi32, #tpu.memory_space<hbm>>
    tpu.enqueue_indirect_dma source(%dma_start3A_43 : memref<250432x128xi32, #tpu.memory_space<hbm>>) target(%dma_start3A_37 : memref<128x128xi32, #tpu.memory_space<vmem>>) offsets(%dma_start3A_40 : memref<128xi32, #tpu.memory_space<vmem>>) semaphore(%arg11 : memref<!tpu.dma_semaphore, #tpu.memory_space<semaphore_mem>>)
    %dma_wait3A = arith.constant 0 : i32
    %dma_wait3A_44 = arith.constant 0 : i32
    %dma_wait3A_45 = arith.constant 0 : i32
    %dma_wait3A_46 = tpu.memref_slice %arg10[%dma_wait3A_44, %dma_wait3A_45] : memref<512x128xi32, #tpu.memory_space<vmem>> -> memref<128x128xi32, #tpu.memory_space<vmem>>
    %dma_wait3A_47 = arith.constant 0 : i32
    %dma_wait3A_48 = tpu.memref_slice %arg8[%dma_wait3A, %dma_wait3A_47] : memref<4x128xi32, #tpu.memory_space<vmem>> -> memref<1x128xi32, #tpu.memory_space<vmem>>
    %dma_wait3A_49 = tpu.memref_squeeze %dma_wait3A_48 : memref<1x128xi32, #tpu.memory_space<vmem>> -> memref<128xi32, #tpu.memory_space<vmem>>
    %dma_wait3A_50 = arith.constant 0 : i32
    %dma_wait3A_51 = arith.constant 0 : i32
    %dma_wait3A_52 = tpu.memref_slice %arg4[%dma_wait3A_50, %dma_wait3A_51] : memref<250432x128xi32, #tpu.memory_space<hbm>> -> memref<250432x128xi32, #tpu.memory_space<hbm>>
    tpu.wait_indirect_dma semaphore(%arg11 : memref<!tpu.dma_semaphore, #tpu.memory_space<semaphore_mem>>) src(%dma_wait3A_52 : memref<250432x128xi32, #tpu.memory_space<hbm>>) dst(%dma_wait3A_46 : memref<128x128xi32, #tpu.memory_space<vmem>>)
    %dma_wait3A_53 = arith.constant 1 : i32
    %dma_wait3A_54 = arith.constant 128 : i32
    %dma_wait3A_55 = arith.constant 0 : i32
    %dma_wait3A_56 = tpu.memref_slice %arg10[%dma_wait3A_54, %dma_wait3A_55] : memref<512x128xi32, #tpu.memory_space<vmem>> -> memref<128x128xi32, #tpu.memory_space<vmem>>
    %dma_wait3A_57 = arith.constant 0 : i32
    %dma_wait3A_58 = tpu.memref_slice %arg8[%dma_wait3A_53, %dma_wait3A_57] : memref<4x128xi32, #tpu.memory_space<vmem>> -> memref<1x128xi32, #tpu.memory_space<vmem>>
    %dma_wait3A_59 = tpu.memref_squeeze %dma_wait3A_58 : memref<1x128xi32, #tpu.memory_space<vmem>> -> memref<128xi32, #tpu.memory_space<vmem>>
    %dma_wait3A_60 = arith.constant 0 : i32
    %dma_wait3A_61 = arith.constant 0 : i32
    %dma_wait3A_62 = tpu.memref_slice %arg4[%dma_wait3A_60, %dma_wait3A_61] : memref<250432x128xi32, #tpu.memory_space<hbm>> -> memref<250432x128xi32, #tpu.memory_space<hbm>>
    tpu.wait_indirect_dma semaphore(%arg11 : memref<!tpu.dma_semaphore, #tpu.memory_space<semaphore_mem>>) src(%dma_wait3A_62 : memref<250432x128xi32, #tpu.memory_space<hbm>>) dst(%dma_wait3A_56 : memref<128x128xi32, #tpu.memory_space<vmem>>)
    %dma_wait3A_63 = arith.constant 2 : i32
    %dma_wait3A_64 = arith.constant 256 : i32
    %dma_wait3A_65 = arith.constant 0 : i32
    %dma_wait3A_66 = tpu.memref_slice %arg10[%dma_wait3A_64, %dma_wait3A_65] : memref<512x128xi32, #tpu.memory_space<vmem>> -> memref<128x128xi32, #tpu.memory_space<vmem>>
    %dma_wait3A_67 = arith.constant 0 : i32
    %dma_wait3A_68 = tpu.memref_slice %arg8[%dma_wait3A_63, %dma_wait3A_67] : memref<4x128xi32, #tpu.memory_space<vmem>> -> memref<1x128xi32, #tpu.memory_space<vmem>>
    %dma_wait3A_69 = tpu.memref_squeeze %dma_wait3A_68 : memref<1x128xi32, #tpu.memory_space<vmem>> -> memref<128xi32, #tpu.memory_space<vmem>>
    %dma_wait3A_70 = arith.constant 0 : i32
    %dma_wait3A_71 = arith.constant 0 : i32
    %dma_wait3A_72 = tpu.memref_slice %arg4[%dma_wait3A_70, %dma_wait3A_71] : memref<250432x128xi32, #tpu.memory_space<hbm>> -> memref<250432x128xi32, #tpu.memory_space<hbm>>
    tpu.wait_indirect_dma semaphore(%arg11 : memref<!tpu.dma_semaphore, #tpu.memory_space<semaphore_mem>>) src(%dma_wait3A_72 : memref<250432x128xi32, #tpu.memory_space<hbm>>) dst(%dma_wait3A_66 : memref<128x128xi32, #tpu.memory_space<vmem>>)
    %dma_wait3A_73 = arith.constant 3 : i32
    %dma_wait3A_74 = arith.constant 384 : i32
    %dma_wait3A_75 = arith.constant 0 : i32
    %dma_wait3A_76 = tpu.memref_slice %arg10[%dma_wait3A_74, %dma_wait3A_75] : memref<512x128xi32, #tpu.memory_space<vmem>> -> memref<128x128xi32, #tpu.memory_space<vmem>>
    %dma_wait3A_77 = arith.constant 0 : i32
    %dma_wait3A_78 = tpu.memref_slice %arg8[%dma_wait3A_73, %dma_wait3A_77] : memref<4x128xi32, #tpu.memory_space<vmem>> -> memref<1x128xi32, #tpu.memory_space<vmem>>
    %dma_wait3A_79 = tpu.memref_squeeze %dma_wait3A_78 : memref<1x128xi32, #tpu.memory_space<vmem>> -> memref<128xi32, #tpu.memory_space<vmem>>
    %dma_wait3A_80 = arith.constant 0 : i32
    %dma_wait3A_81 = arith.constant 0 : i32
    %dma_wait3A_82 = tpu.memref_slice %arg4[%dma_wait3A_80, %dma_wait3A_81] : memref<250432x128xi32, #tpu.memory_space<hbm>> -> memref<250432x128xi32, #tpu.memory_space<hbm>>
    tpu.wait_indirect_dma semaphore(%arg11 : memref<!tpu.dma_semaphore, #tpu.memory_space<semaphore_mem>>) src(%dma_wait3A_82 : memref<250432x128xi32, #tpu.memory_space<hbm>>) dst(%dma_wait3A_76 : memref<128x128xi32, #tpu.memory_space<vmem>>)
    "tpu.region"() ({
      %run_scoped3A = tpu.sem_alloc : memref<!tpu.dma_semaphore, #tpu.memory_space<semaphore_mem>>
      %dma_start3A_163 = arith.constant 0 : i32
      %dma_start3A_164 = tpu.memref_slice %arg6[%mul3A_4, %dma_start3A_163] : memref<16384x128xi32, #tpu.memory_space<hbm>> -> memref<512x128xi32, #tpu.memory_space<hbm>>
      %dma_start3A_165 = arith.constant 0 : i32
      %dma_start3A_166 = tpu.memref_slice %arg6[%mul3A_4, %dma_start3A_165] : memref<16384x128xi32, #tpu.memory_space<hbm>> -> memref<512x128xi32, #tpu.memory_space<hbm>>
      tpu.enqueue_dma source(%arg10 : memref<512x128xi32, #tpu.memory_space<vmem>>) target(%dma_start3A_166 : memref<512x128xi32, #tpu.memory_space<hbm>>) target_semaphore(%run_scoped3A : memref<!tpu.dma_semaphore, #tpu.memory_space<semaphore_mem>>)
      %dma_wait3A_167 = arith.constant 0 : i32
      %dma_wait3A_168 = tpu.memref_slice %arg6[%mul3A_4, %dma_wait3A_167] : memref<16384x128xi32, #tpu.memory_space<hbm>> -> memref<512x128xi32, #tpu.memory_space<hbm>>
      %dma_wait3A_169 = arith.constant 0 : i32
      %dma_wait3A_170 = tpu.memref_slice %arg6[%mul3A_4, %dma_wait3A_169] : memref<16384x128xi32, #tpu.memory_space<hbm>> -> memref<512x128xi32, #tpu.memory_space<hbm>>
      tpu.wait_dma2 semaphore(%run_scoped3A : memref<!tpu.dma_semaphore, #tpu.memory_space<semaphore_mem>>) src(%arg10 : memref<512x128xi32, #tpu.memory_space<vmem>>) dst(%dma_wait3A_170 : memref<512x128xi32, #tpu.memory_space<hbm>>)
      tpu.yield
    }) : () -> ()
    %dma_start3A_83 = arith.constant 0 : i32
    %dma_start3A_84 = arith.constant 0 : i32
    %dma_start3A_85 = arith.constant 0 : i32
    %dma_start3A_86 = tpu.memref_slice %arg10[%dma_start3A_84, %dma_start3A_85] : memref<512x128xi32, #tpu.memory_space<vmem>> -> memref<128x128xi32, #tpu.memory_space<vmem>>
    %dma_start3A_87 = arith.constant 0 : i32
    %dma_start3A_88 = tpu.memref_slice %arg9[%dma_start3A_83, %dma_start3A_87] : memref<4x128xi32, #tpu.memory_space<vmem>> -> memref<1x128xi32, #tpu.memory_space<vmem>>
    %dma_start3A_89 = tpu.memref_squeeze %dma_start3A_88 : memref<1x128xi32, #tpu.memory_space<vmem>> -> memref<128xi32, #tpu.memory_space<vmem>>
    %dma_start3A_90 = arith.constant 0 : i32
    %dma_start3A_91 = arith.constant 0 : i32
    %dma_start3A_92 = tpu.memref_slice %arg5[%dma_start3A_90, %dma_start3A_91] : memref<26272x128xi32, #tpu.memory_space<hbm>> -> memref<26272x128xi32, #tpu.memory_space<hbm>>
    tpu.enqueue_indirect_dma source(%dma_start3A_92 : memref<26272x128xi32, #tpu.memory_space<hbm>>) target(%dma_start3A_86 : memref<128x128xi32, #tpu.memory_space<vmem>>) offsets(%dma_start3A_89 : memref<128xi32, #tpu.memory_space<vmem>>) semaphore(%arg11 : memref<!tpu.dma_semaphore, #tpu.memory_space<semaphore_mem>>)
    %dma_start3A_93 = arith.constant 1 : i32
    %dma_start3A_94 = arith.constant 128 : i32
    %dma_start3A_95 = arith.constant 0 : i32
    %dma_start3A_96 = tpu.memref_slice %arg10[%dma_start3A_94, %dma_start3A_95] : memref<512x128xi32, #tpu.memory_space<vmem>> -> memref<128x128xi32, #tpu.memory_space<vmem>>
    %dma_start3A_97 = arith.constant 0 : i32
    %dma_start3A_98 = tpu.memref_slice %arg9[%dma_start3A_93, %dma_start3A_97] : memref<4x128xi32, #tpu.memory_space<vmem>> -> memref<1x128xi32, #tpu.memory_space<vmem>>
    %dma_start3A_99 = tpu.memref_squeeze %dma_start3A_98 : memref<1x128xi32, #tpu.memory_space<vmem>> -> memref<128xi32, #tpu.memory_space<vmem>>
    %dma_start3A_100 = arith.constant 0 : i32
    %dma_start3A_101 = arith.constant 0 : i32
    %dma_start3A_102 = tpu.memref_slice %arg5[%dma_start3A_100, %dma_start3A_101] : memref<26272x128xi32, #tpu.memory_space<hbm>> -> memref<26272x128xi32, #tpu.memory_space<hbm>>
    tpu.enqueue_indirect_dma source(%dma_start3A_102 : memref<26272x128xi32, #tpu.memory_space<hbm>>) target(%dma_start3A_96 : memref<128x128xi32, #tpu.memory_space<vmem>>) offsets(%dma_start3A_99 : memref<128xi32, #tpu.memory_space<vmem>>) semaphore(%arg11 : memref<!tpu.dma_semaphore, #tpu.memory_space<semaphore_mem>>)
    %dma_start3A_103 = arith.constant 2 : i32
    %dma_start3A_104 = arith.constant 256 : i32
    %dma_start3A_105 = arith.constant 0 : i32
    %dma_start3A_106 = tpu.memref_slice %arg10[%dma_start3A_104, %dma_start3A_105] : memref<512x128xi32, #tpu.memory_space<vmem>> -> memref<128x128xi32, #tpu.memory_space<vmem>>
    %dma_start3A_107 = arith.constant 0 : i32
    %dma_start3A_108 = tpu.memref_slice %arg9[%dma_start3A_103, %dma_start3A_107] : memref<4x128xi32, #tpu.memory_space<vmem>> -> memref<1x128xi32, #tpu.memory_space<vmem>>
    %dma_start3A_109 = tpu.memref_squeeze %dma_start3A_108 : memref<1x128xi32, #tpu.memory_space<vmem>> -> memref<128xi32, #tpu.memory_space<vmem>>
    %dma_start3A_110 = arith.constant 0 : i32
    %dma_start3A_111 = arith.constant 0 : i32
    %dma_start3A_112 = tpu.memref_slice %arg5[%dma_start3A_110, %dma_start3A_111] : memref<26272x128xi32, #tpu.memory_space<hbm>> -> memref<26272x128xi32, #tpu.memory_space<hbm>>
    tpu.enqueue_indirect_dma source(%dma_start3A_112 : memref<26272x128xi32, #tpu.memory_space<hbm>>) target(%dma_start3A_106 : memref<128x128xi32, #tpu.memory_space<vmem>>) offsets(%dma_start3A_109 : memref<128xi32, #tpu.memory_space<vmem>>) semaphore(%arg11 : memref<!tpu.dma_semaphore, #tpu.memory_space<semaphore_mem>>)
    %dma_start3A_113 = arith.constant 3 : i32
    %dma_start3A_114 = arith.constant 384 : i32
    %dma_start3A_115 = arith.constant 0 : i32
    %dma_start3A_116 = tpu.memref_slice %arg10[%dma_start3A_114, %dma_start3A_115] : memref<512x128xi32, #tpu.memory_space<vmem>> -> memref<128x128xi32, #tpu.memory_space<vmem>>
    %dma_start3A_117 = arith.constant 0 : i32
    %dma_start3A_118 = tpu.memref_slice %arg9[%dma_start3A_113, %dma_start3A_117] : memref<4x128xi32, #tpu.memory_space<vmem>> -> memref<1x128xi32, #tpu.memory_space<vmem>>
    %dma_start3A_119 = tpu.memref_squeeze %dma_start3A_118 : memref<1x128xi32, #tpu.memory_space<vmem>> -> memref<128xi32, #tpu.memory_space<vmem>>
    %dma_start3A_120 = arith.constant 0 : i32
    %dma_start3A_121 = arith.constant 0 : i32
    %dma_start3A_122 = tpu.memref_slice %arg5[%dma_start3A_120, %dma_start3A_121] : memref<26272x128xi32, #tpu.memory_space<hbm>> -> memref<26272x128xi32, #tpu.memory_space<hbm>>
    tpu.enqueue_indirect_dma source(%dma_start3A_122 : memref<26272x128xi32, #tpu.memory_space<hbm>>) target(%dma_start3A_116 : memref<128x128xi32, #tpu.memory_space<vmem>>) offsets(%dma_start3A_119 : memref<128xi32, #tpu.memory_space<vmem>>) semaphore(%arg11 : memref<!tpu.dma_semaphore, #tpu.memory_space<semaphore_mem>>)
    %dma_wait3A_123 = arith.constant 0 : i32
    %dma_wait3A_124 = arith.constant 0 : i32
    %dma_wait3A_125 = arith.constant 0 : i32
    %dma_wait3A_126 = tpu.memref_slice %arg10[%dma_wait3A_124, %dma_wait3A_125] : memref<512x128xi32, #tpu.memory_space<vmem>> -> memref<128x128xi32, #tpu.memory_space<vmem>>
    %dma_wait3A_127 = arith.constant 0 : i32
    %dma_wait3A_128 = tpu.memref_slice %arg9[%dma_wait3A_123, %dma_wait3A_127] : memref<4x128xi32, #tpu.memory_space<vmem>> -> memref<1x128xi32, #tpu.memory_space<vmem>>
    %dma_wait3A_129 = tpu.memref_squeeze %dma_wait3A_128 : memref<1x128xi32, #tpu.memory_space<vmem>> -> memref<128xi32, #tpu.memory_space<vmem>>
    %dma_wait3A_130 = arith.constant 0 : i32
    %dma_wait3A_131 = arith.constant 0 : i32
    %dma_wait3A_132 = tpu.memref_slice %arg5[%dma_wait3A_130, %dma_wait3A_131] : memref<26272x128xi32, #tpu.memory_space<hbm>> -> memref<26272x128xi32, #tpu.memory_space<hbm>>
    tpu.wait_indirect_dma semaphore(%arg11 : memref<!tpu.dma_semaphore, #tpu.memory_space<semaphore_mem>>) src(%dma_wait3A_132 : memref<26272x128xi32, #tpu.memory_space<hbm>>) dst(%dma_wait3A_126 : memref<128x128xi32, #tpu.memory_space<vmem>>)
    %dma_wait3A_133 = arith.constant 1 : i32
    %dma_wait3A_134 = arith.constant 128 : i32
    %dma_wait3A_135 = arith.constant 0 : i32
    %dma_wait3A_136 = tpu.memref_slice %arg10[%dma_wait3A_134, %dma_wait3A_135] : memref<512x128xi32, #tpu.memory_space<vmem>> -> memref<128x128xi32, #tpu.memory_space<vmem>>
    %dma_wait3A_137 = arith.constant 0 : i32
    %dma_wait3A_138 = tpu.memref_slice %arg9[%dma_wait3A_133, %dma_wait3A_137] : memref<4x128xi32, #tpu.memory_space<vmem>> -> memref<1x128xi32, #tpu.memory_space<vmem>>
    %dma_wait3A_139 = tpu.memref_squeeze %dma_wait3A_138 : memref<1x128xi32, #tpu.memory_space<vmem>> -> memref<128xi32, #tpu.memory_space<vmem>>
    %dma_wait3A_140 = arith.constant 0 : i32
    %dma_wait3A_141 = arith.constant 0 : i32
    %dma_wait3A_142 = tpu.memref_slice %arg5[%dma_wait3A_140, %dma_wait3A_141] : memref<26272x128xi32, #tpu.memory_space<hbm>> -> memref<26272x128xi32, #tpu.memory_space<hbm>>
    tpu.wait_indirect_dma semaphore(%arg11 : memref<!tpu.dma_semaphore, #tpu.memory_space<semaphore_mem>>) src(%dma_wait3A_142 : memref<26272x128xi32, #tpu.memory_space<hbm>>) dst(%dma_wait3A_136 : memref<128x128xi32, #tpu.memory_space<vmem>>)
    %dma_wait3A_143 = arith.constant 2 : i32
    %dma_wait3A_144 = arith.constant 256 : i32
    %dma_wait3A_145 = arith.constant 0 : i32
    %dma_wait3A_146 = tpu.memref_slice %arg10[%dma_wait3A_144, %dma_wait3A_145] : memref<512x128xi32, #tpu.memory_space<vmem>> -> memref<128x128xi32, #tpu.memory_space<vmem>>
    %dma_wait3A_147 = arith.constant 0 : i32
    %dma_wait3A_148 = tpu.memref_slice %arg9[%dma_wait3A_143, %dma_wait3A_147] : memref<4x128xi32, #tpu.memory_space<vmem>> -> memref<1x128xi32, #tpu.memory_space<vmem>>
    %dma_wait3A_149 = tpu.memref_squeeze %dma_wait3A_148 : memref<1x128xi32, #tpu.memory_space<vmem>> -> memref<128xi32, #tpu.memory_space<vmem>>
    %dma_wait3A_150 = arith.constant 0 : i32
    %dma_wait3A_151 = arith.constant 0 : i32
    %dma_wait3A_152 = tpu.memref_slice %arg5[%dma_wait3A_150, %dma_wait3A_151] : memref<26272x128xi32, #tpu.memory_space<hbm>> -> memref<26272x128xi32, #tpu.memory_space<hbm>>
    tpu.wait_indirect_dma semaphore(%arg11 : memref<!tpu.dma_semaphore, #tpu.memory_space<semaphore_mem>>) src(%dma_wait3A_152 : memref<26272x128xi32, #tpu.memory_space<hbm>>) dst(%dma_wait3A_146 : memref<128x128xi32, #tpu.memory_space<vmem>>)
    %dma_wait3A_153 = arith.constant 3 : i32
    %dma_wait3A_154 = arith.constant 384 : i32
    %dma_wait3A_155 = arith.constant 0 : i32
    %dma_wait3A_156 = tpu.memref_slice %arg10[%dma_wait3A_154, %dma_wait3A_155] : memref<512x128xi32, #tpu.memory_space<vmem>> -> memref<128x128xi32, #tpu.memory_space<vmem>>
    %dma_wait3A_157 = arith.constant 0 : i32
    %dma_wait3A_158 = tpu.memref_slice %arg9[%dma_wait3A_153, %dma_wait3A_157] : memref<4x128xi32, #tpu.memory_space<vmem>> -> memref<1x128xi32, #tpu.memory_space<vmem>>
    %dma_wait3A_159 = tpu.memref_squeeze %dma_wait3A_158 : memref<1x128xi32, #tpu.memory_space<vmem>> -> memref<128xi32, #tpu.memory_space<vmem>>
    %dma_wait3A_160 = arith.constant 0 : i32
    %dma_wait3A_161 = arith.constant 0 : i32
    %dma_wait3A_162 = tpu.memref_slice %arg5[%dma_wait3A_160, %dma_wait3A_161] : memref<26272x128xi32, #tpu.memory_space<hbm>> -> memref<26272x128xi32, #tpu.memory_space<hbm>>
    tpu.wait_indirect_dma semaphore(%arg11 : memref<!tpu.dma_semaphore, #tpu.memory_space<semaphore_mem>>) src(%dma_wait3A_162 : memref<26272x128xi32, #tpu.memory_space<hbm>>) dst(%dma_wait3A_156 : memref<128x128xi32, #tpu.memory_space<vmem>>)
    "tpu.region"() ({
      %run_scoped3A = tpu.sem_alloc : memref<!tpu.dma_semaphore, #tpu.memory_space<semaphore_mem>>
      %dma_start3A_163 = arith.constant 0 : i32
      %dma_start3A_164 = tpu.memref_slice %arg7[%mul3A_4, %dma_start3A_163] : memref<16384x128xi32, #tpu.memory_space<hbm>> -> memref<512x128xi32, #tpu.memory_space<hbm>>
      %dma_start3A_165 = arith.constant 0 : i32
      %dma_start3A_166 = tpu.memref_slice %arg7[%mul3A_4, %dma_start3A_165] : memref<16384x128xi32, #tpu.memory_space<hbm>> -> memref<512x128xi32, #tpu.memory_space<hbm>>
      tpu.enqueue_dma source(%arg10 : memref<512x128xi32, #tpu.memory_space<vmem>>) target(%dma_start3A_166 : memref<512x128xi32, #tpu.memory_space<hbm>>) target_semaphore(%run_scoped3A : memref<!tpu.dma_semaphore, #tpu.memory_space<semaphore_mem>>)
      %dma_wait3A_167 = arith.constant 0 : i32
      %dma_wait3A_168 = tpu.memref_slice %arg7[%mul3A_4, %dma_wait3A_167] : memref<16384x128xi32, #tpu.memory_space<hbm>> -> memref<512x128xi32, #tpu.memory_space<hbm>>
      %dma_wait3A_169 = arith.constant 0 : i32
      %dma_wait3A_170 = tpu.memref_slice %arg7[%mul3A_4, %dma_wait3A_169] : memref<16384x128xi32, #tpu.memory_space<hbm>> -> memref<512x128xi32, #tpu.memory_space<hbm>>
      tpu.wait_dma2 semaphore(%run_scoped3A : memref<!tpu.dma_semaphore, #tpu.memory_space<semaphore_mem>>) src(%arg10 : memref<512x128xi32, #tpu.memory_space<vmem>>) dst(%dma_wait3A_170 : memref<512x128xi32, #tpu.memory_space<hbm>>)
      tpu.yield
    }) : () -> ()
    return
  }
}

module attributes {stable_mosaic.version = 14 : i64} {
  func.func @_pack_body(%arg0: i32, %arg1: memref<64x4096xf32, #tpu.memory_space<vmem>>, %arg2: memref<64x4096xf32, #tpu.memory_space<vmem>>, %arg3: memref<64x4096xf32, #tpu.memory_space<vmem>>, %arg4: memref<64x4096xf32, #tpu.memory_space<vmem>>, %arg5: memref<4096x128xi32, #tpu.memory_space<vmem>>) attributes {dimension_semantics = [#tpu.dimension_semantics<arbitrary>], iteration_bounds = array<i64: 62>, scalar_prefetch = 0 : i64, scratch_operands = 0 : i64, tpu.core_type = #tpu.core_type<tc>, window_params = [{transform_indices = @transform_0, window_bounds = array<i64: 64, 4096>}, {transform_indices = @transform_1, window_bounds = array<i64: 64, 4096>}, {transform_indices = @transform_2, window_bounds = array<i64: 64, 4096>}, {transform_indices = @transform_3, window_bounds = array<i64: 64, 4096>}, {transform_indices = @transform_4, window_bounds = array<i64: 4096, 128>}]} {
    %iota3A = tpu.iota {dimensions = array<i32: 0>} : vector<64x64xi32>
    %iota3A_0 = tpu.iota {dimensions = array<i32: 1>} : vector<64x64xi32>
    %add3A = arith.constant 0 : i32
    %add3A_1 = vector.broadcast %add3A : i32 to vector<64x64xi32>
    %add3A_2 = arith.addi %iota3A, %add3A_1 : vector<64x64xi32>
    %eq3A = arith.cmpi eq, %add3A_2, %iota3A_0 : vector<64x64xi32>
    %convert_element_type3A = arith.extui %eq3A : vector<64x64xi1> to vector<64x64xi32>
    %convert_element_type3A_3 = arith.sitofp %convert_element_type3A : vector<64x64xi32> to vector<64x64xf32>
    %get3A = arith.constant 0 : index
    %get3A_4 = arith.constant 0 : index
    %get3A_5 = vector.load %arg1[%get3A, %get3A_4] : memref<64x4096xf32, #tpu.memory_space<vmem>>, vector<64x4096xf32>
    %dot_general3A = arith.constant dense<0.000000e+00> : vector<4096x64xf32>
    %dot_general3A_6 = tpu.matmul %get3A_5, %convert_element_type3A_3, %dot_general3A {dimension_numbers = #tpu.dot_dimension_numbers<[0], [0], [1], [1], [0, 1, 1, 1], [], []>, transpose_lhs_hint = false} : vector<64x4096xf32>, vector<64x64xf32>, vector<4096x64xf32> -> vector<4096x64xf32>
    %get3A_7 = arith.constant 0 : index
    %get3A_8 = arith.constant 0 : index
    %get3A_9 = vector.load %arg2[%get3A_7, %get3A_8] : memref<64x4096xf32, #tpu.memory_space<vmem>>, vector<64x4096xf32>
    %dot_general3A_10 = arith.constant dense<0.000000e+00> : vector<4096x64xf32>
    %dot_general3A_11 = tpu.matmul %get3A_9, %convert_element_type3A_3, %dot_general3A_10 {dimension_numbers = #tpu.dot_dimension_numbers<[0], [0], [1], [1], [0, 1, 1, 1], [], []>, transpose_lhs_hint = false} : vector<64x4096xf32>, vector<64x64xf32>, vector<4096x64xf32> -> vector<4096x64xf32>
    %concatenate3A = tpu.concatenate %dot_general3A_6, %dot_general3A_11 in 1 : vector<4096x64xf32>, vector<4096x64xf32> -> vector<4096x128xf32>
    %get3A_12 = arith.constant 0 : index
    %get3A_13 = arith.constant 0 : index
    %get3A_14 = vector.load %arg3[%get3A_12, %get3A_13] : memref<64x4096xf32, #tpu.memory_space<vmem>>, vector<64x4096xf32>
    %dot_general3A_15 = arith.constant dense<0.000000e+00> : vector<4096x64xf32>
    %dot_general3A_16 = tpu.matmul %get3A_14, %convert_element_type3A_3, %dot_general3A_15 {dimension_numbers = #tpu.dot_dimension_numbers<[0], [0], [1], [1], [0, 1, 1, 1], [], []>, transpose_lhs_hint = false} : vector<64x4096xf32>, vector<64x64xf32>, vector<4096x64xf32> -> vector<4096x64xf32>
    %get3A_17 = arith.constant 0 : index
    %get3A_18 = arith.constant 0 : index
    %get3A_19 = vector.load %arg4[%get3A_17, %get3A_18] : memref<64x4096xf32, #tpu.memory_space<vmem>>, vector<64x4096xf32>
    %dot_general3A_20 = arith.constant dense<0.000000e+00> : vector<4096x64xf32>
    %dot_general3A_21 = tpu.matmul %get3A_19, %convert_element_type3A_3, %dot_general3A_20 {dimension_numbers = #tpu.dot_dimension_numbers<[0], [0], [1], [1], [0, 1, 1, 1], [], []>, transpose_lhs_hint = false} : vector<64x4096xf32>, vector<64x64xf32>, vector<4096x64xf32> -> vector<4096x64xf32>
    %concatenate3A_22 = tpu.concatenate %dot_general3A_16, %dot_general3A_21 in 1 : vector<4096x64xf32>, vector<4096x64xf32> -> vector<4096x128xf32>
    %convert_element_type3A_23 = arith.truncf %concatenate3A : vector<4096x128xf32> to vector<4096x128xbf16>
    %bitcast_convert_type3A = tpu.bitcast %convert_element_type3A_23 : vector<4096x128xbf16> -> vector<4096x128xi16>
    %convert_element_type3A_24 = arith.truncf %concatenate3A_22 : vector<4096x128xf32> to vector<4096x128xbf16>
    %bitcast_convert_type3A_25 = tpu.bitcast %convert_element_type3A_24 : vector<4096x128xbf16> -> vector<4096x128xi16>
    %convert_element_type3A_26 = arith.extsi %bitcast_convert_type3A_25 : vector<4096x128xi16> to vector<4096x128xi32>
    %shift_left3A = arith.constant 16 : i32
    %shift_left3A_27 = vector.broadcast %shift_left3A : i32 to vector<4096x128xi32>
    %shift_left3A_28 = arith.shli %convert_element_type3A_26, %shift_left3A_27 : vector<4096x128xi32>
    %convert_element_type3A_29 = arith.extsi %bitcast_convert_type3A : vector<4096x128xi16> to vector<4096x128xi32>
    %and3A = arith.constant 65535 : i32
    %and3A_30 = vector.broadcast %and3A : i32 to vector<4096x128xi32>
    %and3A_31 = arith.andi %convert_element_type3A_29, %and3A_30 : vector<4096x128xi32>
    %or3A = arith.ori %shift_left3A_28, %and3A_31 : vector<4096x128xi32>
    %swap3A = arith.constant 0 : index
    %swap3A_32 = arith.constant 0 : index
    %swap3A_33 = vector.load %arg5[%swap3A, %swap3A_32] : memref<4096x128xi32, #tpu.memory_space<vmem>>, vector<4096x128xi32>
    tpu.vector_store %arg5[%swap3A, %swap3A_32], %or3A {strides = array<i32>} : memref<4096x128xi32, #tpu.memory_space<vmem>>, vector<4096x128xi32>,
    return
  }
  func.func @transform_0(%arg0: i32) -> (i32, i32) {
    %c0_i32 = arith.constant 0 : i32
    %c0_i32_0 = arith.constant 0 : i32
    return %c0_i32, %arg0 : i32, i32
  }
  func.func @transform_1(%arg0: i32) -> (i32, i32) {
    %add3A = arith.constant 122 : i32
    %add3A_0 = arith.addi %arg0, %add3A : i32
    %c0_i32 = arith.constant 0 : i32
    %c0_i32_1 = arith.constant 0 : i32
    return %c0_i32, %add3A_0 : i32, i32
  }
  func.func @transform_2(%arg0: i32) -> (i32, i32) {
    %add3A = arith.constant 61 : i32
    %add3A_0 = arith.addi %arg0, %add3A : i32
    %c0_i32 = arith.constant 0 : i32
    %c0_i32_1 = arith.constant 0 : i32
    return %c0_i32, %add3A_0 : i32, i32
  }
  func.func @transform_3(%arg0: i32) -> (i32, i32) {
    %add3A = arith.constant 183 : i32
    %add3A_0 = arith.addi %arg0, %add3A : i32
    %c0_i32 = arith.constant 0 : i32
    %c0_i32_1 = arith.constant 0 : i32
    return %c0_i32, %add3A_0 : i32, i32
  }
  func.func @transform_4(%arg0: i32) -> (i32, i32) {
    %c0_i32 = arith.constant 0 : i32
    %c0_i32_0 = arith.constant 0 : i32
    return %arg0, %c0_i32 : i32, i32
  }
}

module attributes {stable_mosaic.version = 14 : i64} {
  func.func @_pack_body(%arg0: i32, %arg1: memref<64x4096xf32, #tpu.memory_space<vmem>>, %arg2: memref<64x4096xf32, #tpu.memory_space<vmem>>, %arg3: memref<64x4096xf32, #tpu.memory_space<vmem>>, %arg4: memref<64x4096xf32, #tpu.memory_space<vmem>>, %arg5: memref<4096x128xi32, #tpu.memory_space<vmem>>) attributes {dimension_semantics = [#tpu.dimension_semantics<arbitrary>], iteration_bounds = array<i64: 7>, scalar_prefetch = 0 : i64, scratch_operands = 0 : i64, tpu.core_type = #tpu.core_type<tc>, window_params = [{transform_indices = @transform_0, window_bounds = array<i64: 64, 4096>}, {transform_indices = @transform_1, window_bounds = array<i64: 64, 4096>}, {transform_indices = @transform_2, window_bounds = array<i64: 64, 4096>}, {transform_indices = @transform_3, window_bounds = array<i64: 64, 4096>}, {transform_indices = @transform_4, window_bounds = array<i64: 4096, 128>}]} {
    %iota3A = tpu.iota {dimensions = array<i32: 0>} : vector<64x64xi32>
    %iota3A_0 = tpu.iota {dimensions = array<i32: 1>} : vector<64x64xi32>
    %add3A = arith.constant 0 : i32
    %add3A_1 = vector.broadcast %add3A : i32 to vector<64x64xi32>
    %add3A_2 = arith.addi %iota3A, %add3A_1 : vector<64x64xi32>
    %eq3A = arith.cmpi eq, %add3A_2, %iota3A_0 : vector<64x64xi32>
    %convert_element_type3A = arith.extui %eq3A : vector<64x64xi1> to vector<64x64xi32>
    %convert_element_type3A_3 = arith.sitofp %convert_element_type3A : vector<64x64xi32> to vector<64x64xf32>
    %get3A = arith.constant 0 : index
    %get3A_4 = arith.constant 0 : index
    %get3A_5 = vector.load %arg1[%get3A, %get3A_4] : memref<64x4096xf32, #tpu.memory_space<vmem>>, vector<64x4096xf32>
    %dot_general3A = arith.constant dense<0.000000e+00> : vector<4096x64xf32>
    %dot_general3A_6 = tpu.matmul %get3A_5, %convert_element_type3A_3, %dot_general3A {dimension_numbers = #tpu.dot_dimension_numbers<[0], [0], [1], [1], [0, 1, 1, 1], [], []>, transpose_lhs_hint = false} : vector<64x4096xf32>, vector<64x64xf32>, vector<4096x64xf32> -> vector<4096x64xf32>
    %get3A_7 = arith.constant 0 : index
    %get3A_8 = arith.constant 0 : index
    %get3A_9 = vector.load %arg2[%get3A_7, %get3A_8] : memref<64x4096xf32, #tpu.memory_space<vmem>>, vector<64x4096xf32>
    %dot_general3A_10 = arith.constant dense<0.000000e+00> : vector<4096x64xf32>
    %dot_general3A_11 = tpu.matmul %get3A_9, %convert_element_type3A_3, %dot_general3A_10 {dimension_numbers = #tpu.dot_dimension_numbers<[0], [0], [1], [1], [0, 1, 1, 1], [], []>, transpose_lhs_hint = false} : vector<64x4096xf32>, vector<64x64xf32>, vector<4096x64xf32> -> vector<4096x64xf32>
    %concatenate3A = tpu.concatenate %dot_general3A_6, %dot_general3A_11 in 1 : vector<4096x64xf32>, vector<4096x64xf32> -> vector<4096x128xf32>
    %get3A_12 = arith.constant 0 : index
    %get3A_13 = arith.constant 0 : index
    %get3A_14 = vector.load %arg3[%get3A_12, %get3A_13] : memref<64x4096xf32, #tpu.memory_space<vmem>>, vector<64x4096xf32>
    %dot_general3A_15 = arith.constant dense<0.000000e+00> : vector<4096x64xf32>
    %dot_general3A_16 = tpu.matmul %get3A_14, %convert_element_type3A_3, %dot_general3A_15 {dimension_numbers = #tpu.dot_dimension_numbers<[0], [0], [1], [1], [0, 1, 1, 1], [], []>, transpose_lhs_hint = false} : vector<64x4096xf32>, vector<64x64xf32>, vector<4096x64xf32> -> vector<4096x64xf32>
    %get3A_17 = arith.constant 0 : index
    %get3A_18 = arith.constant 0 : index
    %get3A_19 = vector.load %arg4[%get3A_17, %get3A_18] : memref<64x4096xf32, #tpu.memory_space<vmem>>, vector<64x4096xf32>
    %dot_general3A_20 = arith.constant dense<0.000000e+00> : vector<4096x64xf32>
    %dot_general3A_21 = tpu.matmul %get3A_19, %convert_element_type3A_3, %dot_general3A_20 {dimension_numbers = #tpu.dot_dimension_numbers<[0], [0], [1], [1], [0, 1, 1, 1], [], []>, transpose_lhs_hint = false} : vector<64x4096xf32>, vector<64x64xf32>, vector<4096x64xf32> -> vector<4096x64xf32>
    %concatenate3A_22 = tpu.concatenate %dot_general3A_16, %dot_general3A_21 in 1 : vector<4096x64xf32>, vector<4096x64xf32> -> vector<4096x128xf32>
    %convert_element_type3A_23 = arith.truncf %concatenate3A : vector<4096x128xf32> to vector<4096x128xbf16>
    %bitcast_convert_type3A = tpu.bitcast %convert_element_type3A_23 : vector<4096x128xbf16> -> vector<4096x128xi16>
    %convert_element_type3A_24 = arith.truncf %concatenate3A_22 : vector<4096x128xf32> to vector<4096x128xbf16>
    %bitcast_convert_type3A_25 = tpu.bitcast %convert_element_type3A_24 : vector<4096x128xbf16> -> vector<4096x128xi16>
    %convert_element_type3A_26 = arith.extsi %bitcast_convert_type3A_25 : vector<4096x128xi16> to vector<4096x128xi32>
    %shift_left3A = arith.constant 16 : i32
    %shift_left3A_27 = vector.broadcast %shift_left3A : i32 to vector<4096x128xi32>
    %shift_left3A_28 = arith.shli %convert_element_type3A_26, %shift_left3A_27 : vector<4096x128xi32>
    %convert_element_type3A_29 = arith.extsi %bitcast_convert_type3A : vector<4096x128xi16> to vector<4096x128xi32>
    %and3A = arith.constant 65535 : i32
    %and3A_30 = vector.broadcast %and3A : i32 to vector<4096x128xi32>
    %and3A_31 = arith.andi %convert_element_type3A_29, %and3A_30 : vector<4096x128xi32>
    %or3A = arith.ori %shift_left3A_28, %and3A_31 : vector<4096x128xi32>
    %swap3A = arith.constant 0 : index
    %swap3A_32 = arith.constant 0 : index
    %swap3A_33 = vector.load %arg5[%swap3A, %swap3A_32] : memref<4096x128xi32, #tpu.memory_space<vmem>>, vector<4096x128xi32>
    tpu.vector_store %arg5[%swap3A, %swap3A_32], %or3A {strides = array<i32>} : memref<4096x128xi32, #tpu.memory_space<vmem>>, vector<4096x128xi32>,
    return
  }
  func.func @transform_0(%arg0: i32) -> (i32, i32) {
    %c0_i32 = arith.constant 0 : i32
    %c0_i32_0 = arith.constant 0 : i32
    return %c0_i32, %arg0 : i32, i32
  }
  func.func @transform_1(%arg0: i32) -> (i32, i32) {
    %add3A = arith.constant 12 : i32
    %add3A_0 = arith.addi %arg0, %add3A : i32
    %c0_i32 = arith.constant 0 : i32
    %c0_i32_1 = arith.constant 0 : i32
    return %c0_i32, %add3A_0 : i32, i32
  }
  func.func @transform_2(%arg0: i32) -> (i32, i32) {
    %add3A = arith.constant 6 : i32
    %add3A_0 = arith.addi %arg0, %add3A : i32
    %c0_i32 = arith.constant 0 : i32
    %c0_i32_1 = arith.constant 0 : i32
    return %c0_i32, %add3A_0 : i32, i32
  }
  func.func @transform_3(%arg0: i32) -> (i32, i32) {
    %add3A = arith.constant 18 : i32
    %add3A_0 = arith.addi %arg0, %add3A : i32
    %c0_i32 = arith.constant 0 : i32
    %c0_i32_1 = arith.constant 0 : i32
    return %c0_i32, %add3A_0 : i32, i32
  }
  func.func @transform_4(%arg0: i32) -> (i32, i32) {
    %c0_i32 = arith.constant 0 : i32
    %c0_i32_0 = arith.constant 0 : i32
    return %arg0, %c0_i32 : i32, i32
  }
}

module attributes {stable_mosaic.version = 14 : i64} {
  func.func @_mlp_body(%arg0: i32, %arg1: memref<2048x128xi32, #tpu.memory_space<vmem>>, %arg2: memref<2048x128xi32, #tpu.memory_space<vmem>>, %arg3: memref<2048x1xi32, #tpu.memory_space<vmem>>, %arg4: memref<2048x1xi32, #tpu.memory_space<vmem>>, %arg5: memref<2048x1xi32, #tpu.memory_space<vmem>>, %arg6: memref<2048x1xi32, #tpu.memory_space<vmem>>, %arg7: memref<64x128xbf16, #tpu.memory_space<vmem>>, %arg8: memref<64x128xbf16, #tpu.memory_space<vmem>>, %arg9: memref<1x128xf32, #tpu.memory_space<vmem>>, %arg10: memref<128x128xf32, #tpu.memory_space<vmem>>, %arg11: memref<1x128xf32, #tpu.memory_space<vmem>>, %arg12: memref<128x2xf32, #tpu.memory_space<vmem>>, %arg13: memref<1x2xf32, #tpu.memory_space<vmem>>, %arg14: memref<2048x2xf32, #tpu.memory_space<vmem>>) attributes {dimension_semantics = [#tpu.dimension_semantics<arbitrary>], iteration_bounds = array<i64: 8>, scalar_prefetch = 0 : i64, scratch_operands = 0 : i64, tpu.core_type = #tpu.core_type<tc>, window_params = [{transform_indices = @transform_0, window_bounds = array<i64: 2048, 128>}, {transform_indices = @transform_1, window_bounds = array<i64: 2048, 128>}, {transform_indices = @transform_2, window_bounds = array<i64: 2048, 1>}, {transform_indices = @transform_3, window_bounds = array<i64: 2048, 1>}, {transform_indices = @transform_4, window_bounds = array<i64: 2048, 1>}, {transform_indices = @transform_5, window_bounds = array<i64: 2048, 1>}, {pipeline_mode = #tpu.pipeline_mode<synchronous>, transform_indices = @transform_6, window_bounds = array<i64: 64, 128>}, {pipeline_mode = #tpu.pipeline_mode<synchronous>, transform_indices = @transform_7, window_bounds = array<i64: 64, 128>}, {pipeline_mode = #tpu.pipeline_mode<synchronous>, transform_indices = @transform_8, window_bounds = array<i64: 1, 128>}, {pipeline_mode = #tpu.pipeline_mode<synchronous>, transform_indices = @transform_9, window_bounds = array<i64: 128, 128>}, {pipeline_mode = #tpu.pipeline_mode<synchronous>, transform_indices = @transform_10, window_bounds = array<i64: 1, 128>}, {pipeline_mode = #tpu.pipeline_mode<synchronous>, transform_indices = @transform_11, window_bounds = array<i64: 128, 2>}, {pipeline_mode = #tpu.pipeline_mode<synchronous>, transform_indices = @transform_12, window_bounds = array<i64: 1, 2>}, {transform_indices = @transform_13, window_bounds = array<i64: 2048, 2>}]} {
    %get3A = arith.constant 0 : index
    %get3A_0 = arith.constant 0 : index
    %get3A_1 = vector.load %arg1[%get3A, %get3A_0] : memref<2048x128xi32, #tpu.memory_space<vmem>>, vector<2048x128xi32>
    %get3A_2 = arith.constant 0 : index
    %get3A_3 = arith.constant 0 : index
    %get3A_4 = vector.load %arg2[%get3A_2, %get3A_3] : memref<2048x128xi32, #tpu.memory_space<vmem>>, vector<2048x128xi32>
    %get3A_5 = arith.constant 0 : index
    %get3A_6 = arith.constant 0 : index
    %get3A_7 = vector.load %arg5[%get3A_5, %get3A_6] : memref<2048x1xi32, #tpu.memory_space<vmem>>, vector<2048x1xi32>
    %gt3A = arith.constant 0 : i32
    %gt3A_8 = vector.broadcast %gt3A : i32 to vector<2048x1xi32>
    %gt3A_9 = arith.cmpi sgt, %get3A_7, %gt3A_8 : vector<2048x1xi32>
    %and3A = arith.constant -65536 : i32
    %and3A_10 = vector.broadcast %and3A : i32 to vector<2048x128xi32>
    %and3A_11 = arith.andi %get3A_1, %and3A_10 : vector<2048x128xi32>
    %shift_left3A = arith.constant 16 : i32
    %shift_left3A_12 = vector.broadcast %shift_left3A : i32 to vector<2048x128xi32>
    %shift_left3A_13 = arith.shli %get3A_1, %shift_left3A_12 : vector<2048x128xi32>
    %broadcast_in_dim3A = vector.shape_cast %gt3A_9 : vector<2048x1xi1> to vector<2048x1xi1>
    %broadcast_in_dim3A_14 = vector.broadcast %broadcast_in_dim3A : vector<2048x1xi1> to vector<2048x128xi1>
    %select_n3A = arith.select %broadcast_in_dim3A_14, %and3A_11, %shift_left3A_13 : vector<2048x128xi1>, vector<2048x128xi32>
    %get3A_15 = arith.constant 0 : index
    %get3A_16 = arith.constant 0 : index
    %get3A_17 = vector.load %arg6[%get3A_15, %get3A_16] : memref<2048x1xi32, #tpu.memory_space<vmem>>, vector<2048x1xi32>
    %gt3A_18 = arith.constant 0 : i32
    %gt3A_19 = vector.broadcast %gt3A_18 : i32 to vector<2048x1xi32>
    %gt3A_20 = arith.cmpi sgt, %get3A_17, %gt3A_19 : vector<2048x1xi32>
    %and3A_21 = arith.constant -65536 : i32
    %and3A_22 = vector.broadcast %and3A_21 : i32 to vector<2048x128xi32>
    %and3A_23 = arith.andi %get3A_4, %and3A_22 : vector<2048x128xi32>
    %shift_left3A_24 = arith.constant 16 : i32
    %shift_left3A_25 = vector.broadcast %shift_left3A_24 : i32 to vector<2048x128xi32>
    %shift_left3A_26 = arith.shli %get3A_4, %shift_left3A_25 : vector<2048x128xi32>
    %broadcast_in_dim3A_27 = vector.shape_cast %gt3A_20 : vector<2048x1xi1> to vector<2048x1xi1>
    %broadcast_in_dim3A_28 = vector.broadcast %broadcast_in_dim3A_27 : vector<2048x1xi1> to vector<2048x128xi1>
    %select_n3A_29 = arith.select %broadcast_in_dim3A_28, %and3A_23, %shift_left3A_26 : vector<2048x128xi1>, vector<2048x128xi32>
    %bitcast_convert_type3A = tpu.bitcast %select_n3A : vector<2048x128xi32> -> vector<2048x128xf32>
    %bitcast_convert_type3A_30 = tpu.bitcast %select_n3A_29 : vector<2048x128xi32> -> vector<2048x128xf32>
    %get3A_31 = arith.constant 0 : index
    %get3A_32 = arith.constant 0 : index
    %get3A_33 = vector.load %arg3[%get3A_31, %get3A_32] : memref<2048x1xi32, #tpu.memory_space<vmem>>, vector<2048x1xi32>
    %gt3A_34 = arith.constant 0 : i32
    %gt3A_35 = vector.broadcast %gt3A_34 : i32 to vector<2048x1xi32>
    %gt3A_36 = arith.cmpi sgt, %get3A_33, %gt3A_35 : vector<2048x1xi32>
    %slice3A = vector.extract_strided_slice %bitcast_convert_type3A {offsets = [0, 64], sizes = [2048, 64], strides = [1, 1]} : vector<2048x128xf32> to vector<2048x64xf32>
    %slice3A_37 = vector.extract_strided_slice %bitcast_convert_type3A {offsets = [0, 0], sizes = [2048, 64], strides = [1, 1]} : vector<2048x128xf32> to vector<2048x64xf32>
    %broadcast_in_dim3A_38 = vector.shape_cast %gt3A_36 : vector<2048x1xi1> to vector<2048x1xi1>
    %broadcast_in_dim3A_39 = vector.broadcast %broadcast_in_dim3A_38 : vector<2048x1xi1> to vector<2048x64xi1>
    %select_n3A_40 = arith.select %broadcast_in_dim3A_39, %slice3A, %slice3A_37 : vector<2048x64xi1>, vector<2048x64xf32>
    %get3A_41 = arith.constant 0 : index
    %get3A_42 = arith.constant 0 : index
    %get3A_43 = vector.load %arg4[%get3A_41, %get3A_42] : memref<2048x1xi32, #tpu.memory_space<vmem>>, vector<2048x1xi32>
    %gt3A_44 = arith.constant 0 : i32
    %gt3A_45 = vector.broadcast %gt3A_44 : i32 to vector<2048x1xi32>
    %gt3A_46 = arith.cmpi sgt, %get3A_43, %gt3A_45 : vector<2048x1xi32>
    %slice3A_47 = vector.extract_strided_slice %bitcast_convert_type3A_30 {offsets = [0, 64], sizes = [2048, 64], strides = [1, 1]} : vector<2048x128xf32> to vector<2048x64xf32>
    %slice3A_48 = vector.extract_strided_slice %bitcast_convert_type3A_30 {offsets = [0, 0], sizes = [2048, 64], strides = [1, 1]} : vector<2048x128xf32> to vector<2048x64xf32>
    %broadcast_in_dim3A_49 = vector.shape_cast %gt3A_46 : vector<2048x1xi1> to vector<2048x1xi1>
    %broadcast_in_dim3A_50 = vector.broadcast %broadcast_in_dim3A_49 : vector<2048x1xi1> to vector<2048x64xi1>
    %select_n3A_51 = arith.select %broadcast_in_dim3A_50, %slice3A_47, %slice3A_48 : vector<2048x64xi1>, vector<2048x64xf32>
    %convert_element_type3A = arith.truncf %select_n3A_40 : vector<2048x64xf32> to vector<2048x64xbf16>
    %convert_element_type3A_52 = arith.truncf %select_n3A_51 : vector<2048x64xf32> to vector<2048x64xbf16>
    %get3A_53 = arith.constant 0 : index
    %get3A_54 = arith.constant 0 : index
    %get3A_55 = vector.load %arg7[%get3A_53, %get3A_54] : memref<64x128xbf16, #tpu.memory_space<vmem>>, vector<64x128xbf16>
    %dot_general3A = arith.constant dense<0.000000e+00> : vector<2048x128xf32>
    %dot_general3A_56 = tpu.matmul %convert_element_type3A, %get3A_55, %dot_general3A {dimension_numbers = #tpu.dot_dimension_numbers<[1], [0], [0], [1], [0, 0, 1, 1], [], []>, transpose_lhs_hint = false} : vector<2048x64xbf16>, vector<64x128xbf16>, vector<2048x128xf32> -> vector<2048x128xf32>
    %get3A_57 = arith.constant 0 : index
    %get3A_58 = arith.constant 0 : index
    %get3A_59 = vector.load %arg8[%get3A_57, %get3A_58] : memref<64x128xbf16, #tpu.memory_space<vmem>>, vector<64x128xbf16>
    %dot_general3A_60 = arith.constant dense<0.000000e+00> : vector<2048x128xf32>
    %dot_general3A_61 = tpu.matmul %convert_element_type3A_52, %get3A_59, %dot_general3A_60 {dimension_numbers = #tpu.dot_dimension_numbers<[1], [0], [0], [1], [0, 0, 1, 1], [], []>, transpose_lhs_hint = false} : vector<2048x64xbf16>, vector<64x128xbf16>, vector<2048x128xf32> -> vector<2048x128xf32>
    %add3A = arith.addf %dot_general3A_56, %dot_general3A_61 : vector<2048x128xf32>
    %get3A_62 = arith.constant 0 : index
    %get3A_63 = arith.constant 0 : index
    %get3A_64 = vector.load %arg9[%get3A_62, %get3A_63] : memref<1x128xf32, #tpu.memory_space<vmem>>, vector<1x128xf32>
    %add3A_65 = vector.broadcast %get3A_64 : vector<1x128xf32> to vector<2048x128xf32>
    %add3A_66 = arith.addf %add3A, %add3A_65 : vector<2048x128xf32>
    %max3A = arith.constant 0.000000e+00 : f32
    %max3A_67 = vector.broadcast %max3A : f32 to vector<2048x128xf32>
    %max3A_68 = arith.maximumf %add3A_66, %max3A_67 : vector<2048x128xf32>
    %get3A_69 = arith.constant 0 : index
    %get3A_70 = arith.constant 0 : index
    %get3A_71 = vector.load %arg10[%get3A_69, %get3A_70] : memref<128x128xf32, #tpu.memory_space<vmem>>, vector<128x128xf32>
    %dot_general3A_72 = arith.constant dense<0.000000e+00> : vector<2048x128xf32>
    %dot_general3A_73 = tpu.matmul %max3A_68, %get3A_71, %dot_general3A_72 {dimension_numbers = #tpu.dot_dimension_numbers<[1], [0], [0], [1], [0, 0, 1, 1], [], []>, transpose_lhs_hint = false} : vector<2048x128xf32>, vector<128x128xf32>, vector<2048x128xf32> -> vector<2048x128xf32>
    %get3A_74 = arith.constant 0 : index
    %get3A_75 = arith.constant 0 : index
    %get3A_76 = vector.load %arg11[%get3A_74, %get3A_75] : memref<1x128xf32, #tpu.memory_space<vmem>>, vector<1x128xf32>
    %add3A_77 = vector.broadcast %get3A_76 : vector<1x128xf32> to vector<2048x128xf32>
    %add3A_78 = arith.addf %dot_general3A_73, %add3A_77 : vector<2048x128xf32>
    %max3A_79 = arith.constant 0.000000e+00 : f32
    %max3A_80 = vector.broadcast %max3A_79 : f32 to vector<2048x128xf32>
    %max3A_81 = arith.maximumf %add3A_78, %max3A_80 : vector<2048x128xf32>
    %get3A_82 = arith.constant 0 : index
    %get3A_83 = arith.constant 0 : index
    %get3A_84 = vector.load %arg12[%get3A_82, %get3A_83] : memref<128x2xf32, #tpu.memory_space<vmem>>, vector<128x2xf32>
    %dot_general3A_85 = arith.constant dense<0.000000e+00> : vector<2048x2xf32>
    %dot_general3A_86 = tpu.matmul %max3A_81, %get3A_84, %dot_general3A_85 {dimension_numbers = #tpu.dot_dimension_numbers<[1], [0], [0], [1], [0, 0, 1, 1], [], []>, transpose_lhs_hint = false} : vector<2048x128xf32>, vector<128x2xf32>, vector<2048x2xf32> -> vector<2048x2xf32>
    %get3A_87 = arith.constant 0 : index
    %get3A_88 = arith.constant 0 : index
    %get3A_89 = vector.load %arg13[%get3A_87, %get3A_88] : memref<1x2xf32, #tpu.memory_space<vmem>>, vector<1x2xf32>
    %add3A_90 = vector.broadcast %get3A_89 : vector<1x2xf32> to vector<2048x2xf32>
    %add3A_91 = arith.addf %dot_general3A_86, %add3A_90 : vector<2048x2xf32>
    %swap3A = arith.constant 0 : index
    %swap3A_92 = arith.constant 0 : index
    %swap3A_93 = vector.load %arg14[%swap3A, %swap3A_92] : memref<2048x2xf32, #tpu.memory_space<vmem>>, vector<2048x2xf32>
    tpu.vector_store %arg14[%swap3A, %swap3A_92], %add3A_91 {strides = array<i32>} : memref<2048x2xf32, #tpu.memory_space<vmem>>, vector<2048x2xf32>,
    return
  }
  func.func @transform_0(%arg0: i32) -> (i32, i32) {
    %c0_i32 = arith.constant 0 : i32
    %c0_i32_0 = arith.constant 0 : i32
    return %arg0, %c0_i32 : i32, i32
  }
  func.func @transform_1(%arg0: i32) -> (i32, i32) {
    %c0_i32 = arith.constant 0 : i32
    %c0_i32_0 = arith.constant 0 : i32
    return %arg0, %c0_i32 : i32, i32
  }
  func.func @transform_2(%arg0: i32) -> (i32, i32) {
    %c0_i32 = arith.constant 0 : i32
    %c0_i32_0 = arith.constant 0 : i32
    return %arg0, %c0_i32 : i32, i32
  }
  func.func @transform_3(%arg0: i32) -> (i32, i32) {
    %c0_i32 = arith.constant 0 : i32
    %c0_i32_0 = arith.constant 0 : i32
    return %arg0, %c0_i32 : i32, i32
  }
  func.func @transform_4(%arg0: i32) -> (i32, i32) {
    %c0_i32 = arith.constant 0 : i32
    %c0_i32_0 = arith.constant 0 : i32
    return %arg0, %c0_i32 : i32, i32
  }
  func.func @transform_5(%arg0: i32) -> (i32, i32) {
    %c0_i32 = arith.constant 0 : i32
    %c0_i32_0 = arith.constant 0 : i32
    return %arg0, %c0_i32 : i32, i32
  }
  func.func @transform_6(%arg0: i32) -> (i32, i32) {
    %c0_i32 = arith.constant 0 : i32
    %c0_i32_0 = arith.constant 0 : i32
    %c0_i32_1 = arith.constant 0 : i32
    return %c0_i32, %c0_i32_0 : i32, i32
  }
  func.func @transform_7(%arg0: i32) -> (i32, i32) {
    %c0_i32 = arith.constant 0 : i32
    %c0_i32_0 = arith.constant 0 : i32
    %c0_i32_1 = arith.constant 0 : i32
    return %c0_i32, %c0_i32_0 : i32, i32
  }
  func.func @transform_8(%arg0: i32) -> (i32, i32) {
    %c0_i32 = arith.constant 0 : i32
    %c0_i32_0 = arith.constant 0 : i32
    %c0_i32_1 = arith.constant 0 : i32
    return %c0_i32, %c0_i32_0 : i32, i32
  }
  func.func @transform_9(%arg0: i32) -> (i32, i32) {
    %c0_i32 = arith.constant 0 : i32
    %c0_i32_0 = arith.constant 0 : i32
    %c0_i32_1 = arith.constant 0 : i32
    return %c0_i32, %c0_i32_0 : i32, i32
  }
  func.func @transform_10(%arg0: i32) -> (i32, i32) {
    %c0_i32 = arith.constant 0 : i32
    %c0_i32_0 = arith.constant 0 : i32
    %c0_i32_1 = arith.constant 0 : i32
    return %c0_i32, %c0_i32_0 : i32, i32
  }
  func.func @transform_11(%arg0: i32) -> (i32, i32) {
    %c0_i32 = arith.constant 0 : i32
    %c0_i32_0 = arith.constant 0 : i32
    %c0_i32_1 = arith.constant 0 : i32
    return %c0_i32, %c0_i32_0 : i32, i32
  }
  func.func @transform_12(%arg0: i32) -> (i32, i32) {
    %c0_i32 = arith.constant 0 : i32
    %c0_i32_0 = arith.constant 0 : i32
    %c0_i32_1 = arith.constant 0 : i32
    return %c0_i32, %c0_i32_0 : i32, i32
  }
  func.func @transform_13(%arg0: i32) -> (i32, i32) {
    %c0_i32 = arith.constant 0 : i32
    %c0_i32_0 = arith.constant 0 : i32
    return %arg0, %c0_i32 : i32, i32
  }
}

</mosaic_0001>

<sc_bundles>
// kernel: kernel.6.cloned.1.call-start
scs
__scs_entry_jumppad:
0x0: {  	(pc) =	sbr.rel $0x88, $3  }
0x1: {  	(tag) =	ssettag $0x0;
	lr =	simm.s32 $0x1  }
0x2: {  	[smem:$0x3F97] =	sst lr;
	_ =	strace $0xD0000000  }
0x3: {  	_ = 	snop  }
0x4: {  	_ = 	snop  }
0x5: {  	_ = 	snop  }
0x6: {  	_ = 	snop  }
0x7: {  	_ = 	snop  }
__scs_overlays_trampoline_lowered:
0x8: {  	[smem:$0x3FA6] =	sst s0  }
0x9: {  	[smem:$0x3FA7] =	sst s1  }
0xa: {  	[smem:$0x3FA8] =	sst s2  }
0xb: {  	[smem:$0x3FA9] =	sst s3  }
0xc: {  	[smem:$0x3FAA] =	sst s4  }
0xd: {  	[smem:$0x3FAB] =	sst s5  }
0xe: {  	[smem:$0x3FAC] =	sst s6  }
0xf: {  	[smem:$0x3FAD] =	sst s7  }
0x10: {  	[smem:$0x3FAE] =	sst s8  }
0x11: {  	[smem:$0x3FAF] =	sst s9;
	s0 =	simm.s32 @!p0 $0x0  }
0x12: {  	s1 =	sld [smem:$0x3F95];
	s0 =	simm.s32 @p0 $0x1  }
0x13: {  	[smem:$0x3FB0] =	sst s0;
	s0 =	simm.s32 @!p1 $0x0  }
0x14: {  	s2 =	sld [smem:$0x3F94];
	s0 =	simm.s32 @p1 $0x1  }
0x15: {  	[smem:$0x3FB1] =	sst s0;
	s0 =	simm.s32 @!p2 $0x0  }
0x16: {  	s3 =	sld [smem:$0x3FDB];
	s0 =	simm.s32 @p2 $0x1  }
0x17: {  	s4 =	simm.s32 $0x1BF5;
	[smem:$0x3FB3] =	sst s0  }
0x18: {  	s0 =	sld [smem:$0x3F96];
	_ =	swait.ge [sflag:s4], $0x0  }
0x19: {  	s7 =	sld [smem:$0x3F97]  }
0x1a: {  	s8 =	sadd.s32 $0xFFFFE003, lr  }
0x1b: {  	s9 =	sadd.s32 $0xFFFFFEF7, lr;
	s5 =	simm.s32 $0xFFFFFFFF;
	p2 =	slt.u32 s8, $0xFFFFF086  }
0x1c: {  	p1 =	slt.u32 s9, $0xF7A;
	s5 =	simm.s32 @!p2 $0x0  }
0x1d: {  	s5 =	simm.s32 @p1 $0x1;
	p0 =	seq.s32 s7, s2  }
0x1e: {  	s7 =	smul.u32 @!p0 $0xF7A, s2;
	p2 =	seq.s32 @!p0 s5, $0x0  }
0x1f: {  	s9 =	smul.u32 $0xF7A, s1;
	s8 =	simm.s32 @!p0 $0x1BF5;
	p2 =	por !p2, p0  }
0x20: {  	[sflag:s8] =	ssyncset.s32 @!p0 $0xFFFFF086;
	s6 =	sadd.s32 @!p0 s3, s7;
	s7 =	simm.s32 @!p0 $0x108  }
0x21: {  	s3 =	sadd.s32 s3, s9;
	s6 =	sadd.s32 @!p0 $0x88, s6;
	s7 =	simm.s32 @p2 $0x1082  }
0x22: {  	[simem:s7], [sflag:s8] =	dma.local @!p0 [hbm:s6], $0xF7A  }
0x23: {  	s9 =	sor.u32 $0xD0000000, s2;
	s6 =	simm.s32 $0x108;
	_ =	swait.ge @!p0 [sflag:s8], $0x0  }
0x24: {  	s3 =	sadd.s32 $0x88, s3;
	s6 =	simm.s32 @!p1 $0x1082;
	[sflag:s4] =	ssyncset.s32 $0xFFFFF086  }
0x25: {  	[simem:s6], [sflag:s4] =	dma.local [hbm:s3], $0xF7A  }
0x26: {  	[smem:$0x3F97] =	sst s1;
	(tag) =	ssettag s2;
	_ =	strace s9  }
0x27: {  	s1 =	sld [smem:$0x3FA7]  }
0x28: {  	s2 =	sld [smem:$0x3FA8]  }
0x29: {  	s4 =	sld [smem:$0x3FAA]  }
0x2a: {  	p0 =	seq.s32 s5, $0x0;
	s5 =	sld [smem:$0x3FAB]  }
0x2b: {  	s6 =	sld [smem:$0x3FAC]  }
0x2c: {  	s7 =	sld [smem:$0x3FAD]  }
0x2d: {  	s3 =	simm.s32 $0x108;
	s8 =	sld [smem:$0x3FAE]  }
0x2e: {  	s3 =	simm.s32 @!p0 $0x1082;
	s9 =	sld [smem:$0x3FAF]  }
0x2f: {  	lr =	sadd.s32 s0, s3;
	s0 =	sld [smem:$0x3FA6]  }
0x30: {  	s3 =	sld [smem:$0x3FA9]  }
0x31: {  	[smem:$0x3FB2] =	sst s10  }
0x32: {  	s10 =	sld [smem:$0x3FB0];
	_ =	sdelay $0x3  }
0x33: {  	p0 =	seq.s32 s10, $0x1;
	s10 =	sld [smem:$0x3FB2];
	_ =	sdelay $0x3  }
0x34: {  	[smem:$0x3FB2] =	sst s10  }
0x35: {  	s10 =	sld [smem:$0x3FB1];
	_ =	sdelay $0x3  }
0x36: {  	p1 =	seq.s32 s10, $0x1;
	s10 =	sld [smem:$0x3FB2];
	_ =	sdelay $0x3  }
0x37: {  	[smem:$0x3FB2] =	sst s10  }
0x38: {  	s10 =	sld [smem:$0x3FB3]  }
0x39: {  	_ = 	snop;
	(pc) =	sbr.ind lr, $3  }
0x3a: {  	_ = 	snop  }
0x3b: {  	_ = 	snop  }
0x3c: {  	p2 =	seq.s32 s10, $0x1;
	s10 =	sld [smem:$0x3FB2]  }
0x3d: {  	_ =	shalt  }
0x3e: {  	_ =	shalt  }
0x3f: {  	_ =	shalt  }
0x40: {  	_ =	shalt  }
0x41: {  	_ =	shalt  }
0x42: {  	_ =	shalt  }
0x43: {  	_ =	shalt  }
0x44: {  	_ =	shalt  }
0x45: {  	_ =	shalt  }
0x46: {  	_ =	shalt  }
0x47: {  	_ =	shalt  }
0x48: {  	_ =	shalt  }
0x49: {  	_ =	shalt  }
0x4a: {  	_ =	shalt  }
0x4b: {  	_ =	shalt  }
0x4c: {  	_ =	shalt  }
0x4d: {  	_ =	shalt  }
0x4e: {  	_ =	shalt  }
0x4f: {  	_ =	shalt  }
0x50: {  	_ =	shalt  }
0x51: {  	_ =	shalt  }
0x52: {  	_ =	shalt  }
0x53: {  	_ =	shalt  }
0x54: {  	_ =	shalt  }
0x55: {  	_ =	shalt  }
0x56: {  	_ =	shalt  }
0x57: {  	_ =	shalt  }
0x58: {  	_ =	shalt  }
0x59: {  	_ =	shalt  }
0x5a: {  	_ =	shalt  }
0x5b: {  	_ =	shalt  }
0x5c: {  	_ =	shalt  }
0x5d: {  	_ =	shalt  }
0x5e: {  	_ =	shalt  }
0x5f: {  	_ =	shalt  }
0x60: {  	_ =	shalt  }
0x61: {  	_ =	shalt  }
0x62: {  	_ =	shalt  }
0x63: {  	_ =	shalt  }
0x64: {  	_ =	shalt  }
0x65: {  	_ =	shalt  }
0x66: {  	_ =	shalt  }
0x67: {  	_ =	shalt  }
0x68: {  	_ =	shalt  }
0x69: {  	_ =	shalt  }
0x6a: {  	_ =	shalt  }
0x6b: {  	_ =	shalt  }
0x6c: {  	_ =	shalt  }
0x6d: {  	_ =	shalt  }
0x6e: {  	_ =	shalt  }
0x6f: {  	_ =	shalt  }
0x70: {  	_ =	shalt  }
0x71: {  	_ =	shalt  }
0x72: {  	_ =	shalt  }
0x73: {  	_ =	shalt  }
0x74: {  	_ =	shalt  }
0x75: {  	_ =	shalt  }
0x76: {  	_ =	shalt  }
0x77: {  	_ =	shalt  }
0x78: {  	_ =	shalt  }
0x79: {  	_ =	shalt  }
0x7a: {  	_ =	shalt  }
0x7b: {  	_ =	shalt  }
0x7c: {  	_ =	shalt  }
0x7d: {  	_ =	shalt  }
0x7e: {  	_ =	shalt  }
0x7f: {  	_ =	shalt  }
0x80: {  	_ =	shalt  }
0x81: {  	_ =	shalt  }
0x82: {  	_ =	shalt  }
0x83: {  	_ =	shalt  }
0x84: {  	_ =	shalt  }
0x85: {  	_ =	shalt  }
0x86: {  	_ =	shalt  }
0x87: {  	_ =	shalt  }
.Lfunc_end0:
.L_simem_size_0:
called_computation_lowered:
.L_overlay_start_0:
0x88: {  	s2 =	sld [smem:$0x3FD9]  }
0x89: {  	s3 =	sld [smem:$0x3FFE];
	_ =	sdelay $0x1  }
0x8a: {  	s1 =	srdreg.scid  }
0x8b: {  	s0 =	sand.u32 $0x1, s1  }
0x8c: {  	s17 =	sshll.u32 s0, $0xA;
	s2 =	sadd.s32 s3, s2  }
0x8d: {  	s2 =	sadd.s32 s2, s17  }
0x8e: {  	[smem:$0x3FBE] =	sst s2  }
0x8f: {  	_ = 	snop  }
0x90: {  	s2 =	sld [smem:$0x3FD0];
	(tm) =	ssettm $0x1  }
0x91: {  	s18 =	sld [smem:$0x3FFB];
	_ =	sdelay $0x3  }
0x92: {  	_ =	strace s18  }
0x93: {  	s3 =	sld [smem:$0x3FFC];
	_ =	sdelay $0x3  }
0x94: {  	_ =	strace s3  }
0x95: {  	s3 =	sld [smem:$0x3FFD];
	_ =	sdelay $0x3  }
0x96: {  	_ =	strace s3  }
0x97: {  	_ =	strace $0x8FFFFFFF  }
0x98: {  	s19 =	sld [smem:$0x3FDB];
	_ =	sdelay $0x1  }
0x99: {  	s4 =	simm.s32 $_scs_section_size  }
0x9a: {  	s5 =	simm.s32 $_size__tile_overlayer_lowered;
	s6 =	simm.s32 $_tile_overlayer_lowered  }
0x9b: {  	s22 =	simm.s32 $0x1BFF;
	s21 =	sshll.u32 s6, $0x1;
	s3 =	sadd.s32 s4, s19  }
0x9c: {  	s7 =	simm.s32 $0x0;
	s20 =	sshll.u32 s5, $0x1;
	s5 =	sadd.s32 s21, s3  }
0x9d: {  	[timem:s7], [sflag:s22] =	dma.local [hbm:s5], s20  }
0x9e: {  	_ =	swait.ge [sflag:s22], s20  }
0x9f: {  	s4 =	ssub.s32 $0x0, s20;
	[sflag:s22] =	ssyncset.done $0x0  }
0xa0: {  	[sflag:s22] =	ssyncadd.s32 s4;
	_ =	sdelay $0x1  }
0xa1: {  	s23 =	simm.s32 $0x1B8B  }
0xa2: {  	_ =	swait.ge [sflag:s23], $0x1  }
0xa3: {  	[sflag:s23] =	ssyncset.done $0x0  }
0xa4: {  	s25 =	simm.s32 $0x1B8E;
	s24 =	sld [smem:$0x3FFE];
	[sflag:s23] =	ssyncadd.s32 $0xFFFFFFFF  }
0xa5: {  	s26 =	simm.s32 $execute0_lowered;
	[smem:$0x3FD2] =	sst s25  }
0xa6: {  	s5 =	sshll.u32 s26, $0x1;
	_ =	strace $0x80000046;
	[dreg:$0x1] =	wrdreg $0xFFFFFFFF  }
0xa7: {  	s28 =	simm.s32 $_size_execute0_lowered;
	s3 =	sadd.s32 s3, s5;
	[dreg:$0x0] =	wrdreg $0x0  }
0xa8: {  	s5 =	sshll.u32 s28, $0x1;
	[dreg:$0x2] =	wrdreg s3  }
0xa9: {  	[dreg:$0x3] =	wrdreg s5  }
0xaa: {  	[dreg:$0x4] =	wrdreg $0xC0  }
0xab: {  	_ =	task [dreg:s7], $0x5FFFF  }
0xac: {  	[dreg:$0x1] =	wrdreg $0xFFFFFFFF  }
0xad: {  	[dreg:$0x0] =	wrdreg $0x60  }
0xae: {  	[dreg:$0x2] =	wrdreg s24  }
0xaf: {  	[dreg:$0x3] =	wrdreg s2  }
0xb0: {  	[dreg:$0x4] =	wrdreg $0x9  }
0xb1: {  	_ =	task.clear_ibuf [dreg:s7], $0x5FFFF;
	_ =	strace $0x90000046  }
0xb2: {  	s29 =	simm.s32 $0x9;
	_ =	strace $0x80000048  }
0xb3: {  	_ =	swait.ge [sflag:s29], $0x1  }
0xb4: {  	[sflag:s29] =	ssyncadd.s32 $0xFFFFFFFF  }
0xb5: {  	_ =	strace $0x90000048  }
0xb6: {  	_ =	sfence  }
0xb7: {  	s30 =	sld [smem:$0x0];
	_ =	sdelay $0x2  }
0xb8: {  	s31 =	sshll.u32 s1, $0xD;
	s1 =	sshrl.u32 s1, $0x2  }
0xb9: {  	s3 =	sand.u32 $0x4000, s31;
	s1 =	sadd.s32 s1, s30  }
0xba: {  	s0 =	sor.u32 s3, s0;
	s1 =	sshll.u32 s1, $0x11  }
0xbb: {  	s0 =	sor.u32 s1, s0  }
0xbc: {  	s0 =	sadd.s32 $0x8F2B, s0  }
0xbd: {  	[sflag:s0] =	ssyncadd.remote.s32 $0x1  }
0xbe: {  	_ =	sfence.sel $0xFFFF  }
0xbf: {  	[dreg:$0x0] =	wrdreg $0xFFFFFFFF;
	(pc) =	sbr.abs _section_cstart, $3  }
0xc0: {  	[dreg:$0x1] =	wrdreg $0xFFFFFFFF  }
0xc1: {  	_ =	task.clear_ibuf [dreg:s7], $0x2FFFF;
	_ =	strace $0x9FFFFFFF  }
0xc2: {  	(tm) =	ssettm $0x7FFFFFFF  }
0xc3: {  	_ =	shalt  }
tec
execute0_lowered:
.L_overlay_start_1:
0x0: {  	(tag) =	ssettag $0x1  }
0x1: {  	s1 =	srdreg.scid  }
0x2: {  	s17 =	rddreg [dreg:$0x0];
	s0 =	stileid.u32;
	s21 =	sand.u32 $0x1, s1  }
0x3: {  	s5 =	rddreg [dreg:$0x1];
	s3 =	sshll.u32 s0, $0x7;
	s4 =	sshll.u32 s21, $0x6  }
0x4: {  	s2 =	simm.s32 $0x0;
	s1 =	rddreg [dreg:$0x2];
	s6 =	sor.u32 s4, s3  }
0x5: {  	[smem:$0x7FF] =	sst s2;
	s3 =	sadd.s32 s6, s17  }
0x6: {  	_ =	strace $0x80000047;
	s4 =	sadd.s32 $0x43B200, s3;
	s3 =	simm.s32 $0x2  }
0x7: {  	[tilespmem:s2], [sflag:$0x2] =	stream.linear.gather [hbm4b:s4+s2], $0x200, $0x38;
	[tilespmem:$0x10400] =	vst v63  }
0x8: {  	_ =	swait.ge [sflag:s3], $0x200  }
0x9: {  	[sflag:s3] =	ssyncset.done $0x0  }
0xa: {  	s5 =	sadd.s32 s5, s6;
	s6 =	simm.s32 $0x200;
	[sflag:s3] =	ssyncadd.s32 $0xFFFFFE00  }
0xb: {  	[tilespmem:s6], [sflag:$0x2] =	stream.linear.gather [hbm4b:s5+s2], $0x200, $0x38;
	[tilespmem:$0x10400] =	vst v63  }
0xc: {  	_ =	swait.ge [sflag:s3], $0x200  }
0xd: {  	s8 =	simm.s32 $0x80;
	[sflag:s3] =	ssyncset.done $0x0  }
0xe: {  	s9 =	simm.s32 $0x400;
	s7 =	sadd.s32 $0x2400, s17;
	[sflag:s3] =	ssyncadd.s32 $0xFFFFFE00  }
0xf: {  	[tilespmem:s9], [sflag:$0x1] =	stream.indirect.gather [hbm4b:s7+s8], $0x80, s2, s8, $0xb8;
	[tilespmem:$0x10400] =	vst v63  }
0x10: {  	s10 =	simm.s32 $0x4400  }
0x11: {  	[tilespmem:s10], [sflag:$0x1] =	stream.indirect.gather [hbm4b:s7+s8], $0x80, s8, s8, $0xb8;
	[tilespmem:$0x10400] =	vst v63  }
0x12: {  	s11 =	simm.s32 $0x100;
	s12 =	simm.s32 $0x8400  }
0x13: {  	[tilespmem:s12], [sflag:$0x1] =	stream.indirect.gather [hbm4b:s7+s8], $0x80, s11, s8, $0xb8;
	[tilespmem:$0x10400] =	vst v63  }
0x14: {  	s13 =	simm.s32 $0x180;
	s14 =	simm.s32 $0xC400;
	s15 =	simm.s32 $0x1  }
0x15: {  	[tilespmem:s14], [sflag:$0x1] =	stream.indirect.gather [hbm4b:s7+s8], $0x80, s13, s8, $0xb8;
	[tilespmem:$0x10400] =	vst v63  }
0x16: {  	_ =	swait.ge [sflag:s15], $0x4000  }
0x17: {  	[sflag:s15] =	ssyncset.done $0x0  }
0x18: {  	[sflag:s15] =	ssyncadd.s32 $0xFFFFC000  }
0x19: {  	_ =	swait.ge [sflag:s15], $0x4000  }
0x1a: {  	[sflag:s15] =	ssyncset.done $0x0  }
0x1b: {  	[sflag:s15] =	ssyncadd.s32 $0xFFFFC000  }
0x1c: {  	_ =	swait.ge [sflag:s15], $0x4000  }
0x1d: {  	[sflag:s15] =	ssyncset.done $0x0  }
0x1e: {  	s16 =	sshll.u32 s0, $0xE;
	s18 =	sshll.u32 s21, $0xD;
	[sflag:s15] =	ssyncadd.s32 $0xFFFFC000  }
0x1f: {  	s16 =	sor.u32 s18, s16;
	_ =	swait.ge [sflag:s15], $0x4000  }
0x20: {  	s22 =	sadd.s32 s16, s17;
	[sflag:s15] =	ssyncset.done $0x0  }
0x21: {  	s16 =	sadd.s32 $0x43BA00, s22;
	[sflag:s15] =	ssyncadd.s32 $0xFFFFC000  }
0x22: {  	[hbm4b:s16+s2] =	stream.linear.scatter [tilespmem:s9], [sflag:$0x2], $0x10000, $0x38;
	[tilespmem:$0x10400] =	vst v63  }
0x23: {  	_ =	swait.ge [sflag:s3], $0x10000  }
0x24: {  	[sflag:s3] =	ssyncset.done $0x0  }
0x25: {  	s17 =	sadd.s32 $0x3D4800, s17;
	[sflag:s3] =	ssyncadd.s32 $0xFFFF0000  }
0x26: {  	[tilespmem:s9], [sflag:$0x1] =	stream.indirect.gather [hbm4b:s17+s8], $0x80, s6, s8, $0xb8;
	[tilespmem:$0x10400] =	vst v63  }
0x27: {  	s18 =	simm.s32 $0x280  }
0x28: {  	[tilespmem:s10], [sflag:$0x1] =	stream.indirect.gather [hbm4b:s17+s8], $0x80, s18, s8, $0xb8;
	[tilespmem:$0x10400] =	vst v63  }
0x29: {  	s19 =	simm.s32 $0x300  }
0x2a: {  	[tilespmem:s12], [sflag:$0x1] =	stream.indirect.gather [hbm4b:s17+s8], $0x80, s19, s8, $0xb8;
	[tilespmem:$0x10400] =	vst v63  }
0x2b: {  	s20 =	simm.s32 $0x380  }
0x2c: {  	[tilespmem:s14], [sflag:$0x1] =	stream.indirect.gather [hbm4b:s17+s8], $0x80, s20, s8, $0xb8;
	[tilespmem:$0x10400] =	vst v63  }
0x2d: {  	_ =	swait.ge [sflag:s15], $0x4000  }
0x2e: {  	[sflag:s15] =	ssyncset.done $0x0  }
0x2f: {  	[sflag:s15] =	ssyncadd.s32 $0xFFFFC000  }
0x30: {  	_ =	swait.ge [sflag:s15], $0x4000  }
0x31: {  	[sflag:s15] =	ssyncset.done $0x0  }
0x32: {  	s21 =	ssub.s32 $0x2, s21;
	[sflag:s15] =	ssyncadd.s32 $0xFFFFC000  }
0x33: {  	s23 =	sshrl.u32 s21, $0x1;
	_ =	swait.ge [sflag:s15], $0x4000  }
0x34: {  	s23 =	ssub.s32 s21, s23;
	[sflag:s15] =	ssyncset.done $0x0  }
0x35: {  	s31 =	smax.u32 s23, $0x1;
	[sflag:s15] =	ssyncadd.s32 $0xFFFFC000  }
0x36: {  	p0 =	sne.s32 s31, $0x1;
	_ =	swait.ge [sflag:s15], $0x4000  }
.Ltmp0:
0x37: {  	[sflag:s15] =	ssyncset.done $0x0;
	(pc) =	sbr.rel @!p0 .LBB2_2-.Ltmp0, $4  }
0x38: {  	s21 =	sadd.s32 $0x47BA00, s22;
	[sflag:s15] =	ssyncadd.s32 $0xFFFFC000  }
0x39: {  	[hbm4b:s21+s2] =	stream.linear.scatter [tilespmem:s9], [sflag:$0x2], $0x10000, $0x38;
	[tilespmem:$0x10400] =	vst v63  }
0x3a: {  	_ =	swait.ge [sflag:s3], $0x10000  }
0x3b: {  	s22 =	sadd.s32 $0xFFFFFFFF, s31;
	[sflag:s3] =	ssyncset.done $0x0  }
.LBB2_1:
0x3c: {  	p0 =	sne.s32 s22, $0x1;
	s22 =	sadd.s32 $0xFFFFFFFF, s22;
	[sflag:s3] =	ssyncadd.s32 $0xFFFF0000  }
0x3d: {  	[tilespmem:s2], [sflag:$0x2] =	stream.linear.gather [hbm4b:s4+s2], $0x200, $0x38;
	[tilespmem:$0x10400] =	vst v63  }
0x3e: {  	_ =	swait.ge [sflag:s3], $0x200  }
0x3f: {  	[sflag:s3] =	ssyncset.done $0x0  }
0x40: {  	[sflag:s3] =	ssyncadd.s32 $0xFFFFFE00  }
0x41: {  	[tilespmem:s6], [sflag:$0x2] =	stream.linear.gather [hbm4b:s5+s2], $0x200, $0x38;
	[tilespmem:$0x10400] =	vst v63  }
0x42: {  	_ =	swait.ge [sflag:s3], $0x200  }
0x43: {  	[sflag:s3] =	ssyncset.done $0x0  }
0x44: {  	[sflag:s3] =	ssyncadd.s32 $0xFFFFFE00  }
0x45: {  	[tilespmem:s9], [sflag:$0x1] =	stream.indirect.gather [hbm4b:s7+s8], $0x80, s2, s8, $0xb8;
	[tilespmem:$0x10400] =	vst v63  }
0x46: {  	_ = 	snop  }
0x47: {  	[tilespmem:s10], [sflag:$0x1] =	stream.indirect.gather [hbm4b:s7+s8], $0x80, s8, s8, $0xb8;
	[tilespmem:$0x10400] =	vst v63  }
0x48: {  	_ = 	snop  }
0x49: {  	[tilespmem:s12], [sflag:$0x1] =	stream.indirect.gather [hbm4b:s7+s8], $0x80, s11, s8, $0xb8;
	[tilespmem:$0x10400] =	vst v63  }
0x4a: {  	_ = 	snop  }
0x4b: {  	[tilespmem:s14], [sflag:$0x1] =	stream.indirect.gather [hbm4b:s7+s8], $0x80, s13, s8, $0xb8;
	[tilespmem:$0x10400] =	vst v63  }
0x4c: {  	_ =	swait.ge [sflag:s15], $0x4000  }
0x4d: {  	[sflag:s15] =	ssyncset.done $0x0  }
0x4e: {  	[sflag:s15] =	ssyncadd.s32 $0xFFFFC000  }
0x4f: {  	_ =	swait.ge [sflag:s15], $0x4000  }
0x50: {  	[sflag:s15] =	ssyncset.done $0x0  }
0x51: {  	[sflag:s15] =	ssyncadd.s32 $0xFFFFC000  }
0x52: {  	_ =	swait.ge [sflag:s15], $0x4000  }
0x53: {  	[sflag:s15] =	ssyncset.done $0x0  }
0x54: {  	[sflag:s15] =	ssyncadd.s32 $0xFFFFC000  }
0x55: {  	_ =	swait.ge [sflag:s15], $0x4000  }
0x56: {  	[sflag:s15] =	ssyncset.done $0x0  }
0x57: {  	[sflag:s15] =	ssyncadd.s32 $0xFFFFC000  }
0x58: {  	[hbm4b:s16+s2] =	stream.linear.scatter [tilespmem:s9], [sflag:$0x2], $0x10000, $0x38;
	[tilespmem:$0x10400] =	vst v63  }
0x59: {  	_ =	swait.ge [sflag:s3], $0x10000  }
0x5a: {  	[sflag:s3] =	ssyncset.done $0x0  }
0x5b: {  	[sflag:s3] =	ssyncadd.s32 $0xFFFF0000  }
0x5c: {  	[tilespmem:s9], [sflag:$0x1] =	stream.indirect.gather [hbm4b:s17+s8], $0x80, s6, s8, $0xb8;
	[tilespmem:$0x10400] =	vst v63  }
0x5d: {  	_ = 	snop  }
0x5e: {  	[tilespmem:s10], [sflag:$0x1] =	stream.indirect.gather [hbm4b:s17+s8], $0x80, s18, s8, $0xb8;
	[tilespmem:$0x10400] =	vst v63  }
0x5f: {  	_ = 	snop  }
0x60: {  	[tilespmem:s12], [sflag:$0x1] =	stream.indirect.gather [hbm4b:s17+s8], $0x80, s19, s8, $0xb8;
	[tilespmem:$0x10400] =	vst v63  }
0x61: {  	_ = 	snop  }
0x62: {  	[tilespmem:s14], [sflag:$0x1] =	stream.indirect.gather [hbm4b:s17+s8], $0x80, s20, s8, $0xb8;
	[tilespmem:$0x10400] =	vst v63  }
0x63: {  	_ =	swait.ge [sflag:s15], $0x4000  }
0x64: {  	[sflag:s15] =	ssyncset.done $0x0  }
0x65: {  	[sflag:s15] =	ssyncadd.s32 $0xFFFFC000  }
0x66: {  	_ =	swait.ge [sflag:s15], $0x4000  }
0x67: {  	[sflag:s15] =	ssyncset.done $0x0  }
0x68: {  	[sflag:s15] =	ssyncadd.s32 $0xFFFFC000  }
0x69: {  	_ =	swait.ge [sflag:s15], $0x4000  }
0x6a: {  	[sflag:s15] =	ssyncset.done $0x0  }
0x6b: {  	[sflag:s15] =	ssyncadd.s32 $0xFFFFC000  }
0x6c: {  	_ =	swait.ge [sflag:s15], $0x4000  }
.Ltmp1:
0x6d: {  	[sflag:s15] =	ssyncset.done $0x0;
	(pc) =	sbr.rel @p0 .LBB2_1-.Ltmp1, $4  }
0x6e: {  	[sflag:s15] =	ssyncadd.s32 $0xFFFFC000  }
0x6f: {  	[hbm4b:s21+s2] =	stream.linear.scatter [tilespmem:s9], [sflag:$0x2], $0x10000, $0x38;
	[tilespmem:$0x10400] =	vst v63  }
0x70: {  	_ =	swait.ge [sflag:s3], $0x10000  }
0x71: {  	[sflag:s3] =	ssyncset.done $0x0  }
.LBB2_2:
0x72: {  	[sflag:s3] =	ssyncadd.s32 $0xFFFF0000  }
0x73: {  	_ =	sfence.sel $0x180000  }
0x74: {  	[bflag:$0x0] =	sbarrier.arrive $0xFFFF  }
0x75: {  	p0 =	sne.s32 s0, $0x0;
	_ =	strace $0x90000047  }
0x76: {  	s0 =	sadd.s32 @!p0 $0x100000, s1;
	[bflag:$0x2] =	sbarrier.arrive $0xFFFF  }
0x77: {  	[sflag:s0] =	ssyncadd.tile.s32 @!p0 $0x1;
	_ =	shalt  }
.Lfunc_end2:
_tile_overlayer_lowered:
.L_overlay_start_2:
0x78: {  	(tag) =	ssettag $0x2  }
0x79: {  	s0 =	rddreg [dreg:$0x0];
	s2 =	stileid.u32  }
0x7a: {  	s1 =	rddreg [dreg:$0x1];
	p0 =	sne.s32 s2, $0x0  }
0x7b: {  	s3 =	rddreg [dreg:$0x2];
	[bflag:$0x3] =	sbarrier.arrive $0xFFFF;
	s2 =	simm.s32 @!p0 $0x1C02  }
0x7c: {  	[timem:s3], [sflag:s2] =	dma.local @!p0 [hbm:s0], s1  }
0x7d: {  	s0 =	simm.s32 @!p0 $0x2  }
0x7e: {  	_ =	swait.ge @!p0 [sflag:s0], s1  }
0x7f: {  	s1 =	ssub.s32 @!p0 $0x0, s1;
	[sflag:s0] =	ssyncset.done @!p0 $0x0  }
0x80: {  	[sflag:s0] =	ssyncadd.s32 @!p0 s1  }
0x81: {  	[bflag:$0x3] =	sbarrier.arrive $0xFFFF  }
0x82: {  	_ =	shalt  }

</sc_bundles>
